<compile_context>
chip_gen: v7x
topology: tpu7x:2x2x1
jax: 0.10.2.dev20260603
libtpu: 0.0.44.dev20260713+nightly
codegen_flags: <defaults>
</compile_context>

<pallas_src>
import functools

import jax
import jax.numpy as jnp
from jax import lax
from jax.experimental import pallas as pl
from jax.experimental.pallas import tpu as pltpu
from jax.experimental.pallas import tpu_sc as plsc

K = 1024
CB = 4
D = 64
N = 16384
RB = 512
NBLK = N // RB
BETA = 0.25

NC = 2
NS = 16
NW = NC * NS
TOT = CB * N
ROWS_W = TOT // NW
CH = 512
NCH = ROWS_W // CH
GCH = 128
NG = CH // GCH


def _tc_body(x_ref, emb_ref, idx_ref, loss_ref, wsq_ref):
    g = pl.program_id(0)

    @pl.when(g == 0)
    def _():
        loss_ref[:, :] = jnp.zeros((1, 1), jnp.float32)
        for i in range(CB):
            w = emb_ref[i]
            wsq_ref[i:i + 1, :] = jnp.sum(w * w, axis=1)[None, :]

    acc = jnp.zeros((), jnp.float32)
    iota = lax.broadcasted_iota(jnp.int32, (RB, K), 1)
    for i in range(CB):
        a = x_ref[:, i:i + D]
        w2 = emb_ref[i] + emb_ref[i]
        c2 = lax.dot_general(a, w2, (((1,), (1,)), ((), ())),
                             preferred_element_type=jnp.float32)
        xsq = jnp.sum(a * a, axis=1, keepdims=True)
        dist = (xsq + wsq_ref[i:i + 1, :]) - c2
        md = jnp.min(dist, axis=1, keepdims=True)
        arg = jnp.min(jnp.where(dist == md, iota, K), axis=1, keepdims=True)
        idx_ref[:, i:i + 1] = arg + i * K
        acc = acc + jnp.sum(md)

    loss_ref[:, :] = loss_ref[:, :] + (acc * ((1.0 + BETA) / (N * D))).reshape(1, 1)


def _tc_call(xt, emb, interpret=False):
    return pl.pallas_call(
        _tc_body,
        grid=(NBLK,),
        in_specs=[
            pl.BlockSpec((RB, CB * D), lambda g: (g, 0)),
            pl.BlockSpec((CB, K, D), lambda g: (0, 0, 0)),
        ],
        out_specs=[
            pl.BlockSpec((RB, CB), lambda g: (g, 0)),
            pl.BlockSpec((1, 1), lambda g: (0, 0)),
        ],
        out_shape=[
            jax.ShapeDtypeStruct((N, CB), jnp.int32),
            jax.ShapeDtypeStruct((1, 1), jnp.float32),
        ],
        scratch_shapes=[pltpu.VMEM((CB, K), jnp.float32)],
        interpret=interpret,
    )(xt, emb)


def _sc_gather_body(table_hbm, idx_hbm, out_hbm, idx_v, rows_a, rows_b, sem_a,
                    sem_b):
    wid = lax.axis_index("s") * NC + lax.axis_index("c")
    base = wid * ROWS_W
    pltpu.sync_copy(idx_hbm.at[pl.ds(base, ROWS_W)], idx_v)
    bufs = (rows_a, rows_b)
    sems = (sem_a, sem_b)

    def fire(ci, buf, sem):
        cps = []
        for gj in range(NG):
            cps.append(pltpu.async_copy(
                table_hbm.at[idx_v.at[pl.ds(ci * CH + gj * GCH, GCH)]],
                buf.at[pl.ds(gj * GCH, GCH)], sem))
        return cps

    def drain_store(ci, cps, buf):
        for cp in cps:
            cp.wait()
        pltpu.sync_copy(buf, out_hbm.at[pl.ds(base + ci * CH, CH)])

    cps = fire(0, bufs[0], sems[0])
    for ci in range(1, NCH):
        nxt = fire(ci, bufs[ci % 2], sems[ci % 2])
        drain_store(ci - 1, cps, bufs[(ci - 1) % 2])
        cps = nxt
    drain_store(NCH - 1, cps, bufs[(NCH - 1) % 2])


@functools.cache
def _sc_gather():
    return pl.kernel(
        _sc_gather_body,
        out_type=jax.ShapeDtypeStruct((TOT, D), jnp.float32),
        mesh=plsc.VectorSubcoreMesh(core_axis_name="c", subcore_axis_name="s"),
        scratch_types=[
            pltpu.VMEM((ROWS_W,), jnp.int32),
            pltpu.VMEM((CH, D), jnp.float32),
            pltpu.VMEM((CH, D), jnp.float32),
            pltpu.SemaphoreType.DMA,
            pltpu.SemaphoreType.DMA,
        ],
        compiler_params=pltpu.CompilerParams(use_tc_tiling_on_sc=False),
    )


def kernel(latents, emb):
    B, C, H, W = latents.shape
    xt = jnp.transpose(latents, (0, 2, 3, 1)).reshape(N, C)
    table = emb.reshape(CB * K, D)
    idx, loss2d = _tc_call(xt, emb)
    q = _sc_gather()(table, idx.reshape(-1))
    quant = q.reshape(B, H, W, C).transpose(0, 3, 1, 2)
    return quant, loss2d[0, 0]

# --- scband reference (transcript-rebuilt; emitter-appended) ---
"""Pipeline reference for scband-multiple-codebook-vector-quantizer-38319698215617 (READ-ONLY COPY).

The authoritative reference and input builder live on the scoring server;
editing this copy changes nothing except your own understanding.
"""

import jax, jax.numpy as jnp
import numpy as np

K = 1024          # num_embeddings per codebook
CODEBOOKS = 4
D = 256 // CODEBOOKS   # reduced_embedding_dim = 64
BETA = 0.25


def setup_inputs(seed: int = 0) -> dict:
    key = jax.random.key(seed)
    k1, k2 = jax.random.split(key)
    latents = jax.random.normal(k1, (16, 256, 32, 32), dtype=jnp.float32)
    # one embedding table per codebook, init uniform(-1/K, 1/K) as in torch module
    emb = jax.random.uniform(k2, (CODEBOOKS, K, D), minval=-1.0 / K, maxval=1.0 / K, dtype=jnp.float32)
    return {"latents": latents, "emb": emb}


def _quantize_one(sub, w):
    # sub: [B, D, H, W], w: [K, D]
    x = jnp.transpose(sub, (0, 2, 3, 1))  # [B, H, W, D]
    shp = x.shape
    flat = x.reshape(-1, D)
    dist = (jnp.sum(flat ** 2, axis=1, keepdims=True)
            + jnp.sum(w ** 2, axis=1)
            - 2.0 * jnp.matmul(flat, w.T))
    inds = jnp.argmin(dist, axis=1)
    one_hot = jax.nn.one_hot(inds, K, dtype=flat.dtype)
    q = jnp.matmul(one_hot, w).reshape(shp)
    commitment_loss = jnp.mean((jax.lax.stop_gradient(q) - x) ** 2)
    embedding_loss = jnp.mean((q - jax.lax.stop_gradient(x)) ** 2)
    vq_loss = commitment_loss * BETA + embedding_loss
    q = x + jax.lax.stop_gradient(q - x)  # straight-through
    return jnp.transpose(q, (0, 3, 1, 2)), vq_loss


def reference(latents, emb):
    quantized = []
    vq_loss = jnp.float32(0.0)
    for i in range(CODEBOOKS):
        # NOTE: faithful to original torch code, which slices [:, i:i+D] (overlapping), not [:, i*D:(i+1)*D]
        sub = latents[:, i:i + D, :, :]
        q, l = _quantize_one(sub, emb[i])
        quantized.append(q)
        vq_loss = vq_loss + l
    quantized = jnp.concatenate(quantized, axis=1)
    return quantized, vq_loss

if __name__ == "__main__":
    import jax
    _d = setup_inputs()
    print(jax.jit(kernel)(*tuple(_d.values())))

</pallas_src>

<mosaic_0001>
#map = affine_map<(d0, d1) -> (0, 0)>
#map1 = affine_map<(d0, d1) -> (0)>
module attributes {stable_mosaic.version = 14 : i64} {
  func.func @_sc_gather_body(%arg0: i32, %arg1: i32, %arg2: memref<4096x64xf32, #tpu.memory_space<hbm>>, %arg3: memref<65536xi32, #tpu.memory_space<hbm>>, %arg4: memref<65536x64xf32, #tpu.memory_space<hbm>>, %arg5: memref<2048xi32, #tpu.memory_space<vmem>>, %arg6: memref<512x64xf32, #tpu.memory_space<vmem>>, %arg7: memref<512x64xf32, #tpu.memory_space<vmem>>, %arg8: memref<!tpu.dma_semaphore, #tpu.memory_space<semaphore_mem>>, %arg9: memref<!tpu.dma_semaphore, #tpu.memory_space<semaphore_mem>>) attributes {dimension_semantics = [#tpu.dimension_semantics<core_parallel>, #tpu.dimension_semantics<subcore_parallel>], iteration_bounds = array<i64: 2, 16>, scalar_prefetch = 0 : i64, scratch_operands = 5 : i64, tpu.core_type = #tpu.core_type<sc_vector_subcore>, window_params = [{transform_indices = #map}, {transform_indices = #map1}, {transform_indices = #map}]} {
    %mul3A = arith.constant 2 : i32
    %mul3A_0 = arith.muli %arg1, %mul3A : i32
    %add3A = arith.addi %mul3A_0, %arg0 : i32
    %mul3A_1 = arith.constant 2048 : i32
    %mul3A_2 = arith.muli %add3A, %mul3A_1 : i32
    "tpu.region"() ({
      %run_scoped3A = tpu.sem_alloc : memref<!tpu.dma_semaphore, #tpu.memory_space<semaphore_mem>>
      %dma_start3A_265 = tpu.memref_slice %arg3[%mul3A_2] : memref<65536xi32, #tpu.memory_space<hbm>> -> memref<2048xi32, #tpu.memory_space<hbm>>
      %dma_start3A_266 = tpu.memref_slice %arg3[%mul3A_2] : memref<65536xi32, #tpu.memory_space<hbm>> -> memref<2048xi32, #tpu.memory_space<hbm>>
      tpu.enqueue_dma source(%dma_start3A_266 : memref<2048xi32, #tpu.memory_space<hbm>>) target(%arg5 : memref<2048xi32, #tpu.memory_space<vmem>>) target_semaphore(%run_scoped3A : memref<!tpu.dma_semaphore, #tpu.memory_space<semaphore_mem>>)
      %dma_wait3A_267 = tpu.memref_slice %arg3[%mul3A_2] : memref<65536xi32, #tpu.memory_space<hbm>> -> memref<2048xi32, #tpu.memory_space<hbm>>
      %dma_wait3A_268 = tpu.memref_slice %arg3[%mul3A_2] : memref<65536xi32, #tpu.memory_space<hbm>> -> memref<2048xi32, #tpu.memory_space<hbm>>
      tpu.wait_dma2 semaphore(%run_scoped3A : memref<!tpu.dma_semaphore, #tpu.memory_space<semaphore_mem>>) src(%dma_wait3A_268 : memref<2048xi32, #tpu.memory_space<hbm>>) dst(%arg5 : memref<2048xi32, #tpu.memory_space<vmem>>)
      tpu.yield
    }) : () -> ()
    %dma_start3A = arith.constant 0 : i32
    %dma_start3A_3 = arith.constant 0 : i32
    %dma_start3A_4 = tpu.memref_slice %arg6[%dma_start3A, %dma_start3A_3] : memref<512x64xf32, #tpu.memory_space<vmem>> -> memref<128x64xf32, #tpu.memory_space<vmem>>
    %dma_start3A_5 = arith.constant 0 : i32
    %dma_start3A_6 = tpu.memref_slice %arg5[%dma_start3A_5] : memref<2048xi32, #tpu.memory_space<vmem>> -> memref<128xi32, #tpu.memory_space<vmem>>
    %dma_start3A_7 = arith.constant 0 : i32
    %dma_start3A_8 = arith.constant 0 : i32
    %dma_start3A_9 = tpu.memref_slice %arg2[%dma_start3A_7, %dma_start3A_8] : memref<4096x64xf32, #tpu.memory_space<hbm>> -> memref<4096x64xf32, #tpu.memory_space<hbm>>
    tpu.enqueue_indirect_dma source(%dma_start3A_9 : memref<4096x64xf32, #tpu.memory_space<hbm>>) target(%dma_start3A_4 : memref<128x64xf32, #tpu.memory_space<vmem>>) offsets(%dma_start3A_6 : memref<128xi32, #tpu.memory_space<vmem>>) semaphore(%arg8 : memref<!tpu.dma_semaphore, #tpu.memory_space<semaphore_mem>>)
    %dma_start3A_10 = arith.constant 128 : i32
    %dma_start3A_11 = arith.constant 0 : i32
    %dma_start3A_12 = tpu.memref_slice %arg6[%dma_start3A_10, %dma_start3A_11] : memref<512x64xf32, #tpu.memory_space<vmem>> -> memref<128x64xf32, #tpu.memory_space<vmem>>
    %dma_start3A_13 = arith.constant 128 : i32
    %dma_start3A_14 = tpu.memref_slice %arg5[%dma_start3A_13] : memref<2048xi32, #tpu.memory_space<vmem>> -> memref<128xi32, #tpu.memory_space<vmem>>
    %dma_start3A_15 = arith.constant 0 : i32
    %dma_start3A_16 = arith.constant 0 : i32
    %dma_start3A_17 = tpu.memref_slice %arg2[%dma_start3A_15, %dma_start3A_16] : memref<4096x64xf32, #tpu.memory_space<hbm>> -> memref<4096x64xf32, #tpu.memory_space<hbm>>
    tpu.enqueue_indirect_dma source(%dma_start3A_17 : memref<4096x64xf32, #tpu.memory_space<hbm>>) target(%dma_start3A_12 : memref<128x64xf32, #tpu.memory_space<vmem>>) offsets(%dma_start3A_14 : memref<128xi32, #tpu.memory_space<vmem>>) semaphore(%arg8 : memref<!tpu.dma_semaphore, #tpu.memory_space<semaphore_mem>>)
    %dma_start3A_18 = arith.constant 256 : i32
    %dma_start3A_19 = arith.constant 0 : i32
    %dma_start3A_20 = tpu.memref_slice %arg6[%dma_start3A_18, %dma_start3A_19] : memref<512x64xf32, #tpu.memory_space<vmem>> -> memref<128x64xf32, #tpu.memory_space<vmem>>
    %dma_start3A_21 = arith.constant 256 : i32
    %dma_start3A_22 = tpu.memref_slice %arg5[%dma_start3A_21] : memref<2048xi32, #tpu.memory_space<vmem>> -> memref<128xi32, #tpu.memory_space<vmem>>
    %dma_start3A_23 = arith.constant 0 : i32
    %dma_start3A_24 = arith.constant 0 : i32
    %dma_start3A_25 = tpu.memref_slice %arg2[%dma_start3A_23, %dma_start3A_24] : memref<4096x64xf32, #tpu.memory_space<hbm>> -> memref<4096x64xf32, #tpu.memory_space<hbm>>
    tpu.enqueue_indirect_dma source(%dma_start3A_25 : memref<4096x64xf32, #tpu.memory_space<hbm>>) target(%dma_start3A_20 : memref<128x64xf32, #tpu.memory_space<vmem>>) offsets(%dma_start3A_22 : memref<128xi32, #tpu.memory_space<vmem>>) semaphore(%arg8 : memref<!tpu.dma_semaphore, #tpu.memory_space<semaphore_mem>>)
    %dma_start3A_26 = arith.constant 384 : i32
    %dma_start3A_27 = arith.constant 0 : i32
    %dma_start3A_28 = tpu.memref_slice %arg6[%dma_start3A_26, %dma_start3A_27] : memref<512x64xf32, #tpu.memory_space<vmem>> -> memref<128x64xf32, #tpu.memory_space<vmem>>
    %dma_start3A_29 = arith.constant 384 : i32
    %dma_start3A_30 = tpu.memref_slice %arg5[%dma_start3A_29] : memref<2048xi32, #tpu.memory_space<vmem>> -> memref<128xi32, #tpu.memory_space<vmem>>
    %dma_start3A_31 = arith.constant 0 : i32
    %dma_start3A_32 = arith.constant 0 : i32
    %dma_start3A_33 = tpu.memref_slice %arg2[%dma_start3A_31, %dma_start3A_32] : memref<4096x64xf32, #tpu.memory_space<hbm>> -> memref<4096x64xf32, #tpu.memory_space<hbm>>
    tpu.enqueue_indirect_dma source(%dma_start3A_33 : memref<4096x64xf32, #tpu.memory_space<hbm>>) target(%dma_start3A_28 : memref<128x64xf32, #tpu.memory_space<vmem>>) offsets(%dma_start3A_30 : memref<128xi32, #tpu.memory_space<vmem>>) semaphore(%arg8 : memref<!tpu.dma_semaphore, #tpu.memory_space<semaphore_mem>>)
    %dma_start3A_34 = arith.constant 0 : i32
    %dma_start3A_35 = arith.constant 0 : i32
    %dma_start3A_36 = tpu.memref_slice %arg7[%dma_start3A_34, %dma_start3A_35] : memref<512x64xf32, #tpu.memory_space<vmem>> -> memref<128x64xf32, #tpu.memory_space<vmem>>
    %dma_start3A_37 = arith.constant 512 : i32
    %dma_start3A_38 = tpu.memref_slice %arg5[%dma_start3A_37] : memref<2048xi32, #tpu.memory_space<vmem>> -> memref<128xi32, #tpu.memory_space<vmem>>
    %dma_start3A_39 = arith.constant 0 : i32
    %dma_start3A_40 = arith.constant 0 : i32
    %dma_start3A_41 = tpu.memref_slice %arg2[%dma_start3A_39, %dma_start3A_40] : memref<4096x64xf32, #tpu.memory_space<hbm>> -> memref<4096x64xf32, #tpu.memory_space<hbm>>
    tpu.enqueue_indirect_dma source(%dma_start3A_41 : memref<4096x64xf32, #tpu.memory_space<hbm>>) target(%dma_start3A_36 : memref<128x64xf32, #tpu.memory_space<vmem>>) offsets(%dma_start3A_38 : memref<128xi32, #tpu.memory_space<vmem>>) semaphore(%arg9 : memref<!tpu.dma_semaphore, #tpu.memory_space<semaphore_mem>>)
    %dma_start3A_42 = arith.constant 128 : i32
    %dma_start3A_43 = arith.constant 0 : i32
    %dma_start3A_44 = tpu.memref_slice %arg7[%dma_start3A_42, %dma_start3A_43] : memref<512x64xf32, #tpu.memory_space<vmem>> -> memref<128x64xf32, #tpu.memory_space<vmem>>
    %dma_start3A_45 = arith.constant 640 : i32
    %dma_start3A_46 = tpu.memref_slice %arg5[%dma_start3A_45] : memref<2048xi32, #tpu.memory_space<vmem>> -> memref<128xi32, #tpu.memory_space<vmem>>
    %dma_start3A_47 = arith.constant 0 : i32
    %dma_start3A_48 = arith.constant 0 : i32
    %dma_start3A_49 = tpu.memref_slice %arg2[%dma_start3A_47, %dma_start3A_48] : memref<4096x64xf32, #tpu.memory_space<hbm>> -> memref<4096x64xf32, #tpu.memory_space<hbm>>
    tpu.enqueue_indirect_dma source(%dma_start3A_49 : memref<4096x64xf32, #tpu.memory_space<hbm>>) target(%dma_start3A_44 : memref<128x64xf32, #tpu.memory_space<vmem>>) offsets(%dma_start3A_46 : memref<128xi32, #tpu.memory_space<vmem>>) semaphore(%arg9 : memref<!tpu.dma_semaphore, #tpu.memory_space<semaphore_mem>>)
    %dma_start3A_50 = arith.constant 256 : i32
    %dma_start3A_51 = arith.constant 0 : i32
    %dma_start3A_52 = tpu.memref_slice %arg7[%dma_start3A_50, %dma_start3A_51] : memref<512x64xf32, #tpu.memory_space<vmem>> -> memref<128x64xf32, #tpu.memory_space<vmem>>
    %dma_start3A_53 = arith.constant 768 : i32
    %dma_start3A_54 = tpu.memref_slice %arg5[%dma_start3A_53] : memref<2048xi32, #tpu.memory_space<vmem>> -> memref<128xi32, #tpu.memory_space<vmem>>
    %dma_start3A_55 = arith.constant 0 : i32
    %dma_start3A_56 = arith.constant 0 : i32
    %dma_start3A_57 = tpu.memref_slice %arg2[%dma_start3A_55, %dma_start3A_56] : memref<4096x64xf32, #tpu.memory_space<hbm>> -> memref<4096x64xf32, #tpu.memory_space<hbm>>
    tpu.enqueue_indirect_dma source(%dma_start3A_57 : memref<4096x64xf32, #tpu.memory_space<hbm>>) target(%dma_start3A_52 : memref<128x64xf32, #tpu.memory_space<vmem>>) offsets(%dma_start3A_54 : memref<128xi32, #tpu.memory_space<vmem>>) semaphore(%arg9 : memref<!tpu.dma_semaphore, #tpu.memory_space<semaphore_mem>>)
    %dma_start3A_58 = arith.constant 384 : i32
    %dma_start3A_59 = arith.constant 0 : i32
    %dma_start3A_60 = tpu.memref_slice %arg7[%dma_start3A_58, %dma_start3A_59] : memref<512x64xf32, #tpu.memory_space<vmem>> -> memref<128x64xf32, #tpu.memory_space<vmem>>
    %dma_start3A_61 = arith.constant 896 : i32
    %dma_start3A_62 = tpu.memref_slice %arg5[%dma_start3A_61] : memref<2048xi32, #tpu.memory_space<vmem>> -> memref<128xi32, #tpu.memory_space<vmem>>
    %dma_start3A_63 = arith.constant 0 : i32
    %dma_start3A_64 = arith.constant 0 : i32
    %dma_start3A_65 = tpu.memref_slice %arg2[%dma_start3A_63, %dma_start3A_64] : memref<4096x64xf32, #tpu.memory_space<hbm>> -> memref<4096x64xf32, #tpu.memory_space<hbm>>
    tpu.enqueue_indirect_dma source(%dma_start3A_65 : memref<4096x64xf32, #tpu.memory_space<hbm>>) target(%dma_start3A_60 : memref<128x64xf32, #tpu.memory_space<vmem>>) offsets(%dma_start3A_62 : memref<128xi32, #tpu.memory_space<vmem>>) semaphore(%arg9 : memref<!tpu.dma_semaphore, #tpu.memory_space<semaphore_mem>>)
    %dma_wait3A = arith.constant 0 : i32
    %dma_wait3A_66 = arith.constant 0 : i32
    %dma_wait3A_67 = tpu.memref_slice %arg6[%dma_wait3A, %dma_wait3A_66] : memref<512x64xf32, #tpu.memory_space<vmem>> -> memref<128x64xf32, #tpu.memory_space<vmem>>
    %dma_wait3A_68 = arith.constant 0 : i32
    %dma_wait3A_69 = tpu.memref_slice %arg5[%dma_wait3A_68] : memref<2048xi32, #tpu.memory_space<vmem>> -> memref<128xi32, #tpu.memory_space<vmem>>
    %dma_wait3A_70 = arith.constant 0 : i32
    %dma_wait3A_71 = arith.constant 0 : i32
    %dma_wait3A_72 = tpu.memref_slice %arg2[%dma_wait3A_70, %dma_wait3A_71] : memref<4096x64xf32, #tpu.memory_space<hbm>> -> memref<4096x64xf32, #tpu.memory_space<hbm>>
    tpu.wait_indirect_dma semaphore(%arg8 : memref<!tpu.dma_semaphore, #tpu.memory_space<semaphore_mem>>) src(%dma_wait3A_72 : memref<4096x64xf32, #tpu.memory_space<hbm>>) dst(%dma_wait3A_67 : memref<128x64xf32, #tpu.memory_space<vmem>>)
    %dma_wait3A_73 = arith.constant 128 : i32
    %dma_wait3A_74 = arith.constant 0 : i32
    %dma_wait3A_75 = tpu.memref_slice %arg6[%dma_wait3A_73, %dma_wait3A_74] : memref<512x64xf32, #tpu.memory_space<vmem>> -> memref<128x64xf32, #tpu.memory_space<vmem>>
    %dma_wait3A_76 = arith.constant 128 : i32
    %dma_wait3A_77 = tpu.memref_slice %arg5[%dma_wait3A_76] : memref<2048xi32, #tpu.memory_space<vmem>> -> memref<128xi32, #tpu.memory_space<vmem>>
    %dma_wait3A_78 = arith.constant 0 : i32
    %dma_wait3A_79 = arith.constant 0 : i32
    %dma_wait3A_80 = tpu.memref_slice %arg2[%dma_wait3A_78, %dma_wait3A_79] : memref<4096x64xf32, #tpu.memory_space<hbm>> -> memref<4096x64xf32, #tpu.memory_space<hbm>>
    tpu.wait_indirect_dma semaphore(%arg8 : memref<!tpu.dma_semaphore, #tpu.memory_space<semaphore_mem>>) src(%dma_wait3A_80 : memref<4096x64xf32, #tpu.memory_space<hbm>>) dst(%dma_wait3A_75 : memref<128x64xf32, #tpu.memory_space<vmem>>)
    %dma_wait3A_81 = arith.constant 256 : i32
    %dma_wait3A_82 = arith.constant 0 : i32
    %dma_wait3A_83 = tpu.memref_slice %arg6[%dma_wait3A_81, %dma_wait3A_82] : memref<512x64xf32, #tpu.memory_space<vmem>> -> memref<128x64xf32, #tpu.memory_space<vmem>>
    %dma_wait3A_84 = arith.constant 256 : i32
    %dma_wait3A_85 = tpu.memref_slice %arg5[%dma_wait3A_84] : memref<2048xi32, #tpu.memory_space<vmem>> -> memref<128xi32, #tpu.memory_space<vmem>>
    %dma_wait3A_86 = arith.constant 0 : i32
    %dma_wait3A_87 = arith.constant 0 : i32
    %dma_wait3A_88 = tpu.memref_slice %arg2[%dma_wait3A_86, %dma_wait3A_87] : memref<4096x64xf32, #tpu.memory_space<hbm>> -> memref<4096x64xf32, #tpu.memory_space<hbm>>
    tpu.wait_indirect_dma semaphore(%arg8 : memref<!tpu.dma_semaphore, #tpu.memory_space<semaphore_mem>>) src(%dma_wait3A_88 : memref<4096x64xf32, #tpu.memory_space<hbm>>) dst(%dma_wait3A_83 : memref<128x64xf32, #tpu.memory_space<vmem>>)
    %dma_wait3A_89 = arith.constant 384 : i32
    %dma_wait3A_90 = arith.constant 0 : i32
    %dma_wait3A_91 = tpu.memref_slice %arg6[%dma_wait3A_89, %dma_wait3A_90] : memref<512x64xf32, #tpu.memory_space<vmem>> -> memref<128x64xf32, #tpu.memory_space<vmem>>
    %dma_wait3A_92 = arith.constant 384 : i32
    %dma_wait3A_93 = tpu.memref_slice %arg5[%dma_wait3A_92] : memref<2048xi32, #tpu.memory_space<vmem>> -> memref<128xi32, #tpu.memory_space<vmem>>
    %dma_wait3A_94 = arith.constant 0 : i32
    %dma_wait3A_95 = arith.constant 0 : i32
    %dma_wait3A_96 = tpu.memref_slice %arg2[%dma_wait3A_94, %dma_wait3A_95] : memref<4096x64xf32, #tpu.memory_space<hbm>> -> memref<4096x64xf32, #tpu.memory_space<hbm>>
    tpu.wait_indirect_dma semaphore(%arg8 : memref<!tpu.dma_semaphore, #tpu.memory_space<semaphore_mem>>) src(%dma_wait3A_96 : memref<4096x64xf32, #tpu.memory_space<hbm>>) dst(%dma_wait3A_91 : memref<128x64xf32, #tpu.memory_space<vmem>>)
    %add3A_97 = arith.constant 0 : i32
    %add3A_98 = arith.addi %mul3A_2, %add3A_97 : i32
    "tpu.region"() ({
      %run_scoped3A = tpu.sem_alloc : memref<!tpu.dma_semaphore, #tpu.memory_space<semaphore_mem>>
      %dma_start3A_265 = arith.constant 0 : i32
      %dma_start3A_266 = tpu.memref_slice %arg4[%add3A_98, %dma_start3A_265] : memref<65536x64xf32, #tpu.memory_space<hbm>> -> memref<512x64xf32, #tpu.memory_space<hbm>>
      %dma_start3A_267 = arith.constant 0 : i32
      %dma_start3A_268 = tpu.memref_slice %arg4[%add3A_98, %dma_start3A_267] : memref<65536x64xf32, #tpu.memory_space<hbm>> -> memref<512x64xf32, #tpu.memory_space<hbm>>
      tpu.enqueue_dma source(%arg6 : memref<512x64xf32, #tpu.memory_space<vmem>>) target(%dma_start3A_268 : memref<512x64xf32, #tpu.memory_space<hbm>>) target_semaphore(%run_scoped3A : memref<!tpu.dma_semaphore, #tpu.memory_space<semaphore_mem>>)
      %dma_wait3A_269 = arith.constant 0 : i32
      %dma_wait3A_270 = tpu.memref_slice %arg4[%add3A_98, %dma_wait3A_269] : memref<65536x64xf32, #tpu.memory_space<hbm>> -> memref<512x64xf32, #tpu.memory_space<hbm>>
      %dma_wait3A_271 = arith.constant 0 : i32
      %dma_wait3A_272 = tpu.memref_slice %arg4[%add3A_98, %dma_wait3A_271] : memref<65536x64xf32, #tpu.memory_space<hbm>> -> memref<512x64xf32, #tpu.memory_space<hbm>>
      tpu.wait_dma2 semaphore(%run_scoped3A : memref<!tpu.dma_semaphore, #tpu.memory_space<semaphore_mem>>) src(%arg6 : memref<512x64xf32, #tpu.memory_space<vmem>>) dst(%dma_wait3A_272 : memref<512x64xf32, #tpu.memory_space<hbm>>)
      tpu.yield
    }) : () -> ()
    %dma_start3A_99 = arith.constant 0 : i32
    %dma_start3A_100 = arith.constant 0 : i32
    %dma_start3A_101 = tpu.memref_slice %arg6[%dma_start3A_99, %dma_start3A_100] : memref<512x64xf32, #tpu.memory_space<vmem>> -> memref<128x64xf32, #tpu.memory_space<vmem>>
    %dma_start3A_102 = arith.constant 1024 : i32
    %dma_start3A_103 = tpu.memref_slice %arg5[%dma_start3A_102] : memref<2048xi32, #tpu.memory_space<vmem>> -> memref<128xi32, #tpu.memory_space<vmem>>
    %dma_start3A_104 = arith.constant 0 : i32
    %dma_start3A_105 = arith.constant 0 : i32
    %dma_start3A_106 = tpu.memref_slice %arg2[%dma_start3A_104, %dma_start3A_105] : memref<4096x64xf32, #tpu.memory_space<hbm>> -> memref<4096x64xf32, #tpu.memory_space<hbm>>
    tpu.enqueue_indirect_dma source(%dma_start3A_106 : memref<4096x64xf32, #tpu.memory_space<hbm>>) target(%dma_start3A_101 : memref<128x64xf32, #tpu.memory_space<vmem>>) offsets(%dma_start3A_103 : memref<128xi32, #tpu.memory_space<vmem>>) semaphore(%arg8 : memref<!tpu.dma_semaphore, #tpu.memory_space<semaphore_mem>>)
    %dma_start3A_107 = arith.constant 128 : i32
    %dma_start3A_108 = arith.constant 0 : i32
    %dma_start3A_109 = tpu.memref_slice %arg6[%dma_start3A_107, %dma_start3A_108] : memref<512x64xf32, #tpu.memory_space<vmem>> -> memref<128x64xf32, #tpu.memory_space<vmem>>
    %dma_start3A_110 = arith.constant 1152 : i32
    %dma_start3A_111 = tpu.memref_slice %arg5[%dma_start3A_110] : memref<2048xi32, #tpu.memory_space<vmem>> -> memref<128xi32, #tpu.memory_space<vmem>>
    %dma_start3A_112 = arith.constant 0 : i32
    %dma_start3A_113 = arith.constant 0 : i32
    %dma_start3A_114 = tpu.memref_slice %arg2[%dma_start3A_112, %dma_start3A_113] : memref<4096x64xf32, #tpu.memory_space<hbm>> -> memref<4096x64xf32, #tpu.memory_space<hbm>>
    tpu.enqueue_indirect_dma source(%dma_start3A_114 : memref<4096x64xf32, #tpu.memory_space<hbm>>) target(%dma_start3A_109 : memref<128x64xf32, #tpu.memory_space<vmem>>) offsets(%dma_start3A_111 : memref<128xi32, #tpu.memory_space<vmem>>) semaphore(%arg8 : memref<!tpu.dma_semaphore, #tpu.memory_space<semaphore_mem>>)
    %dma_start3A_115 = arith.constant 256 : i32
    %dma_start3A_116 = arith.constant 0 : i32
    %dma_start3A_117 = tpu.memref_slice %arg6[%dma_start3A_115, %dma_start3A_116] : memref<512x64xf32, #tpu.memory_space<vmem>> -> memref<128x64xf32, #tpu.memory_space<vmem>>
    %dma_start3A_118 = arith.constant 1280 : i32
    %dma_start3A_119 = tpu.memref_slice %arg5[%dma_start3A_118] : memref<2048xi32, #tpu.memory_space<vmem>> -> memref<128xi32, #tpu.memory_space<vmem>>
    %dma_start3A_120 = arith.constant 0 : i32
    %dma_start3A_121 = arith.constant 0 : i32
    %dma_start3A_122 = tpu.memref_slice %arg2[%dma_start3A_120, %dma_start3A_121] : memref<4096x64xf32, #tpu.memory_space<hbm>> -> memref<4096x64xf32, #tpu.memory_space<hbm>>
    tpu.enqueue_indirect_dma source(%dma_start3A_122 : memref<4096x64xf32, #tpu.memory_space<hbm>>) target(%dma_start3A_117 : memref<128x64xf32, #tpu.memory_space<vmem>>) offsets(%dma_start3A_119 : memref<128xi32, #tpu.memory_space<vmem>>) semaphore(%arg8 : memref<!tpu.dma_semaphore, #tpu.memory_space<semaphore_mem>>)
    %dma_start3A_123 = arith.constant 384 : i32
    %dma_start3A_124 = arith.constant 0 : i32
    %dma_start3A_125 = tpu.memref_slice %arg6[%dma_start3A_123, %dma_start3A_124] : memref<512x64xf32, #tpu.memory_space<vmem>> -> memref<128x64xf32, #tpu.memory_space<vmem>>
    %dma_start3A_126 = arith.constant 1408 : i32
    %dma_start3A_127 = tpu.memref_slice %arg5[%dma_start3A_126] : memref<2048xi32, #tpu.memory_space<vmem>> -> memref<128xi32, #tpu.memory_space<vmem>>
    %dma_start3A_128 = arith.constant 0 : i32
    %dma_start3A_129 = arith.constant 0 : i32
    %dma_start3A_130 = tpu.memref_slice %arg2[%dma_start3A_128, %dma_start3A_129] : memref<4096x64xf32, #tpu.memory_space<hbm>> -> memref<4096x64xf32, #tpu.memory_space<hbm>>
    tpu.enqueue_indirect_dma source(%dma_start3A_130 : memref<4096x64xf32, #tpu.memory_space<hbm>>) target(%dma_start3A_125 : memref<128x64xf32, #tpu.memory_space<vmem>>) offsets(%dma_start3A_127 : memref<128xi32, #tpu.memory_space<vmem>>) semaphore(%arg8 : memref<!tpu.dma_semaphore, #tpu.memory_space<semaphore_mem>>)
    %dma_wait3A_131 = arith.constant 0 : i32
    %dma_wait3A_132 = arith.constant 0 : i32
    %dma_wait3A_133 = tpu.memref_slice %arg7[%dma_wait3A_131, %dma_wait3A_132] : memref<512x64xf32, #tpu.memory_space<vmem>> -> memref<128x64xf32, #tpu.memory_space<vmem>>
    %dma_wait3A_134 = arith.constant 512 : i32
    %dma_wait3A_135 = tpu.memref_slice %arg5[%dma_wait3A_134] : memref<2048xi32, #tpu.memory_space<vmem>> -> memref<128xi32, #tpu.memory_space<vmem>>
    %dma_wait3A_136 = arith.constant 0 : i32
    %dma_wait3A_137 = arith.constant 0 : i32
    %dma_wait3A_138 = tpu.memref_slice %arg2[%dma_wait3A_136, %dma_wait3A_137] : memref<4096x64xf32, #tpu.memory_space<hbm>> -> memref<4096x64xf32, #tpu.memory_space<hbm>>
    tpu.wait_indirect_dma semaphore(%arg9 : memref<!tpu.dma_semaphore, #tpu.memory_space<semaphore_mem>>) src(%dma_wait3A_138 : memref<4096x64xf32, #tpu.memory_space<hbm>>) dst(%dma_wait3A_133 : memref<128x64xf32, #tpu.memory_space<vmem>>)
    %dma_wait3A_139 = arith.constant 128 : i32
    %dma_wait3A_140 = arith.constant 0 : i32
    %dma_wait3A_141 = tpu.memref_slice %arg7[%dma_wait3A_139, %dma_wait3A_140] : memref<512x64xf32, #tpu.memory_space<vmem>> -> memref<128x64xf32, #tpu.memory_space<vmem>>
    %dma_wait3A_142 = arith.constant 640 : i32
    %dma_wait3A_143 = tpu.memref_slice %arg5[%dma_wait3A_142] : memref<2048xi32, #tpu.memory_space<vmem>> -> memref<128xi32, #tpu.memory_space<vmem>>
    %dma_wait3A_144 = arith.constant 0 : i32
    %dma_wait3A_145 = arith.constant 0 : i32
    %dma_wait3A_146 = tpu.memref_slice %arg2[%dma_wait3A_144, %dma_wait3A_145] : memref<4096x64xf32, #tpu.memory_space<hbm>> -> memref<4096x64xf32, #tpu.memory_space<hbm>>
    tpu.wait_indirect_dma semaphore(%arg9 : memref<!tpu.dma_semaphore, #tpu.memory_space<semaphore_mem>>) src(%dma_wait3A_146 : memref<4096x64xf32, #tpu.memory_space<hbm>>) dst(%dma_wait3A_141 : memref<128x64xf32, #tpu.memory_space<vmem>>)
    %dma_wait3A_147 = arith.constant 256 : i32
    %dma_wait3A_148 = arith.constant 0 : i32
    %dma_wait3A_149 = tpu.memref_slice %arg7[%dma_wait3A_147, %dma_wait3A_148] : memref<512x64xf32, #tpu.memory_space<vmem>> -> memref<128x64xf32, #tpu.memory_space<vmem>>
    %dma_wait3A_150 = arith.constant 768 : i32
    %dma_wait3A_151 = tpu.memref_slice %arg5[%dma_wait3A_150] : memref<2048xi32, #tpu.memory_space<vmem>> -> memref<128xi32, #tpu.memory_space<vmem>>
    %dma_wait3A_152 = arith.constant 0 : i32
    %dma_wait3A_153 = arith.constant 0 : i32
    %dma_wait3A_154 = tpu.memref_slice %arg2[%dma_wait3A_152, %dma_wait3A_153] : memref<4096x64xf32, #tpu.memory_space<hbm>> -> memref<4096x64xf32, #tpu.memory_space<hbm>>
    tpu.wait_indirect_dma semaphore(%arg9 : memref<!tpu.dma_semaphore, #tpu.memory_space<semaphore_mem>>) src(%dma_wait3A_154 : memref<4096x64xf32, #tpu.memory_space<hbm>>) dst(%dma_wait3A_149 : memref<128x64xf32, #tpu.memory_space<vmem>>)
    %dma_wait3A_155 = arith.constant 384 : i32
    %dma_wait3A_156 = arith.constant 0 : i32
    %dma_wait3A_157 = tpu.memref_slice %arg7[%dma_wait3A_155, %dma_wait3A_156] : memref<512x64xf32, #tpu.memory_space<vmem>> -> memref<128x64xf32, #tpu.memory_space<vmem>>
    %dma_wait3A_158 = arith.constant 896 : i32
    %dma_wait3A_159 = tpu.memref_slice %arg5[%dma_wait3A_158] : memref<2048xi32, #tpu.memory_space<vmem>> -> memref<128xi32, #tpu.memory_space<vmem>>
    %dma_wait3A_160 = arith.constant 0 : i32
    %dma_wait3A_161 = arith.constant 0 : i32
    %dma_wait3A_162 = tpu.memref_slice %arg2[%dma_wait3A_160, %dma_wait3A_161] : memref<4096x64xf32, #tpu.memory_space<hbm>> -> memref<4096x64xf32, #tpu.memory_space<hbm>>
    tpu.wait_indirect_dma semaphore(%arg9 : memref<!tpu.dma_semaphore, #tpu.memory_space<semaphore_mem>>) src(%dma_wait3A_162 : memref<4096x64xf32, #tpu.memory_space<hbm>>) dst(%dma_wait3A_157 : memref<128x64xf32, #tpu.memory_space<vmem>>)
    %add3A_163 = arith.constant 512 : i32
    %add3A_164 = arith.addi %mul3A_2, %add3A_163 : i32
    "tpu.region"() ({
      %run_scoped3A = tpu.sem_alloc : memref<!tpu.dma_semaphore, #tpu.memory_space<semaphore_mem>>
      %dma_start3A_265 = arith.constant 0 : i32
      %dma_start3A_266 = tpu.memref_slice %arg4[%add3A_164, %dma_start3A_265] : memref<65536x64xf32, #tpu.memory_space<hbm>> -> memref<512x64xf32, #tpu.memory_space<hbm>>
      %dma_start3A_267 = arith.constant 0 : i32
      %dma_start3A_268 = tpu.memref_slice %arg4[%add3A_164, %dma_start3A_267] : memref<65536x64xf32, #tpu.memory_space<hbm>> -> memref<512x64xf32, #tpu.memory_space<hbm>>
      tpu.enqueue_dma source(%arg7 : memref<512x64xf32, #tpu.memory_space<vmem>>) target(%dma_start3A_268 : memref<512x64xf32, #tpu.memory_space<hbm>>) target_semaphore(%run_scoped3A : memref<!tpu.dma_semaphore, #tpu.memory_space<semaphore_mem>>)
      %dma_wait3A_269 = arith.constant 0 : i32
      %dma_wait3A_270 = tpu.memref_slice %arg4[%add3A_164, %dma_wait3A_269] : memref<65536x64xf32, #tpu.memory_space<hbm>> -> memref<512x64xf32, #tpu.memory_space<hbm>>
      %dma_wait3A_271 = arith.constant 0 : i32
      %dma_wait3A_272 = tpu.memref_slice %arg4[%add3A_164, %dma_wait3A_271] : memref<65536x64xf32, #tpu.memory_space<hbm>> -> memref<512x64xf32, #tpu.memory_space<hbm>>
      tpu.wait_dma2 semaphore(%run_scoped3A : memref<!tpu.dma_semaphore, #tpu.memory_space<semaphore_mem>>) src(%arg7 : memref<512x64xf32, #tpu.memory_space<vmem>>) dst(%dma_wait3A_272 : memref<512x64xf32, #tpu.memory_space<hbm>>)
      tpu.yield
    }) : () -> ()
    %dma_start3A_165 = arith.constant 0 : i32
    %dma_start3A_166 = arith.constant 0 : i32
    %dma_start3A_167 = tpu.memref_slice %arg7[%dma_start3A_165, %dma_start3A_166] : memref<512x64xf32, #tpu.memory_space<vmem>> -> memref<128x64xf32, #tpu.memory_space<vmem>>
    %dma_start3A_168 = arith.constant 1536 : i32
    %dma_start3A_169 = tpu.memref_slice %arg5[%dma_start3A_168] : memref<2048xi32, #tpu.memory_space<vmem>> -> memref<128xi32, #tpu.memory_space<vmem>>
    %dma_start3A_170 = arith.constant 0 : i32
    %dma_start3A_171 = arith.constant 0 : i32
    %dma_start3A_172 = tpu.memref_slice %arg2[%dma_start3A_170, %dma_start3A_171] : memref<4096x64xf32, #tpu.memory_space<hbm>> -> memref<4096x64xf32, #tpu.memory_space<hbm>>
    tpu.enqueue_indirect_dma source(%dma_start3A_172 : memref<4096x64xf32, #tpu.memory_space<hbm>>) target(%dma_start3A_167 : memref<128x64xf32, #tpu.memory_space<vmem>>) offsets(%dma_start3A_169 : memref<128xi32, #tpu.memory_space<vmem>>) semaphore(%arg9 : memref<!tpu.dma_semaphore, #tpu.memory_space<semaphore_mem>>)
    %dma_start3A_173 = arith.constant 128 : i32
    %dma_start3A_174 = arith.constant 0 : i32
    %dma_start3A_175 = tpu.memref_slice %arg7[%dma_start3A_173, %dma_start3A_174] : memref<512x64xf32, #tpu.memory_space<vmem>> -> memref<128x64xf32, #tpu.memory_space<vmem>>
    %dma_start3A_176 = arith.constant 1664 : i32
    %dma_start3A_177 = tpu.memref_slice %arg5[%dma_start3A_176] : memref<2048xi32, #tpu.memory_space<vmem>> -> memref<128xi32, #tpu.memory_space<vmem>>
    %dma_start3A_178 = arith.constant 0 : i32
    %dma_start3A_179 = arith.constant 0 : i32
    %dma_start3A_180 = tpu.memref_slice %arg2[%dma_start3A_178, %dma_start3A_179] : memref<4096x64xf32, #tpu.memory_space<hbm>> -> memref<4096x64xf32, #tpu.memory_space<hbm>>
    tpu.enqueue_indirect_dma source(%dma_start3A_180 : memref<4096x64xf32, #tpu.memory_space<hbm>>) target(%dma_start3A_175 : memref<128x64xf32, #tpu.memory_space<vmem>>) offsets(%dma_start3A_177 : memref<128xi32, #tpu.memory_space<vmem>>) semaphore(%arg9 : memref<!tpu.dma_semaphore, #tpu.memory_space<semaphore_mem>>)
    %dma_start3A_181 = arith.constant 256 : i32
    %dma_start3A_182 = arith.constant 0 : i32
    %dma_start3A_183 = tpu.memref_slice %arg7[%dma_start3A_181, %dma_start3A_182] : memref<512x64xf32, #tpu.memory_space<vmem>> -> memref<128x64xf32, #tpu.memory_space<vmem>>
    %dma_start3A_184 = arith.constant 1792 : i32
    %dma_start3A_185 = tpu.memref_slice %arg5[%dma_start3A_184] : memref<2048xi32, #tpu.memory_space<vmem>> -> memref<128xi32, #tpu.memory_space<vmem>>
    %dma_start3A_186 = arith.constant 0 : i32
    %dma_start3A_187 = arith.constant 0 : i32
    %dma_start3A_188 = tpu.memref_slice %arg2[%dma_start3A_186, %dma_start3A_187] : memref<4096x64xf32, #tpu.memory_space<hbm>> -> memref<4096x64xf32, #tpu.memory_space<hbm>>
    tpu.enqueue_indirect_dma source(%dma_start3A_188 : memref<4096x64xf32, #tpu.memory_space<hbm>>) target(%dma_start3A_183 : memref<128x64xf32, #tpu.memory_space<vmem>>) offsets(%dma_start3A_185 : memref<128xi32, #tpu.memory_space<vmem>>) semaphore(%arg9 : memref<!tpu.dma_semaphore, #tpu.memory_space<semaphore_mem>>)
    %dma_start3A_189 = arith.constant 384 : i32
    %dma_start3A_190 = arith.constant 0 : i32
    %dma_start3A_191 = tpu.memref_slice %arg7[%dma_start3A_189, %dma_start3A_190] : memref<512x64xf32, #tpu.memory_space<vmem>> -> memref<128x64xf32, #tpu.memory_space<vmem>>
    %dma_start3A_192 = arith.constant 1920 : i32
    %dma_start3A_193 = tpu.memref_slice %arg5[%dma_start3A_192] : memref<2048xi32, #tpu.memory_space<vmem>> -> memref<128xi32, #tpu.memory_space<vmem>>
    %dma_start3A_194 = arith.constant 0 : i32
    %dma_start3A_195 = arith.constant 0 : i32
    %dma_start3A_196 = tpu.memref_slice %arg2[%dma_start3A_194, %dma_start3A_195] : memref<4096x64xf32, #tpu.memory_space<hbm>> -> memref<4096x64xf32, #tpu.memory_space<hbm>>
    tpu.enqueue_indirect_dma source(%dma_start3A_196 : memref<4096x64xf32, #tpu.memory_space<hbm>>) target(%dma_start3A_191 : memref<128x64xf32, #tpu.memory_space<vmem>>) offsets(%dma_start3A_193 : memref<128xi32, #tpu.memory_space<vmem>>) semaphore(%arg9 : memref<!tpu.dma_semaphore, #tpu.memory_space<semaphore_mem>>)
    %dma_wait3A_197 = arith.constant 0 : i32
    %dma_wait3A_198 = arith.constant 0 : i32
    %dma_wait3A_199 = tpu.memref_slice %arg6[%dma_wait3A_197, %dma_wait3A_198] : memref<512x64xf32, #tpu.memory_space<vmem>> -> memref<128x64xf32, #tpu.memory_space<vmem>>
    %dma_wait3A_200 = arith.constant 1024 : i32
    %dma_wait3A_201 = tpu.memref_slice %arg5[%dma_wait3A_200] : memref<2048xi32, #tpu.memory_space<vmem>> -> memref<128xi32, #tpu.memory_space<vmem>>
    %dma_wait3A_202 = arith.constant 0 : i32
    %dma_wait3A_203 = arith.constant 0 : i32
    %dma_wait3A_204 = tpu.memref_slice %arg2[%dma_wait3A_202, %dma_wait3A_203] : memref<4096x64xf32, #tpu.memory_space<hbm>> -> memref<4096x64xf32, #tpu.memory_space<hbm>>
    tpu.wait_indirect_dma semaphore(%arg8 : memref<!tpu.dma_semaphore, #tpu.memory_space<semaphore_mem>>) src(%dma_wait3A_204 : memref<4096x64xf32, #tpu.memory_space<hbm>>) dst(%dma_wait3A_199 : memref<128x64xf32, #tpu.memory_space<vmem>>)
    %dma_wait3A_205 = arith.constant 128 : i32
    %dma_wait3A_206 = arith.constant 0 : i32
    %dma_wait3A_207 = tpu.memref_slice %arg6[%dma_wait3A_205, %dma_wait3A_206] : memref<512x64xf32, #tpu.memory_space<vmem>> -> memref<128x64xf32, #tpu.memory_space<vmem>>
    %dma_wait3A_208 = arith.constant 1152 : i32
    %dma_wait3A_209 = tpu.memref_slice %arg5[%dma_wait3A_208] : memref<2048xi32, #tpu.memory_space<vmem>> -> memref<128xi32, #tpu.memory_space<vmem>>
    %dma_wait3A_210 = arith.constant 0 : i32
    %dma_wait3A_211 = arith.constant 0 : i32
    %dma_wait3A_212 = tpu.memref_slice %arg2[%dma_wait3A_210, %dma_wait3A_211] : memref<4096x64xf32, #tpu.memory_space<hbm>> -> memref<4096x64xf32, #tpu.memory_space<hbm>>
    tpu.wait_indirect_dma semaphore(%arg8 : memref<!tpu.dma_semaphore, #tpu.memory_space<semaphore_mem>>) src(%dma_wait3A_212 : memref<4096x64xf32, #tpu.memory_space<hbm>>) dst(%dma_wait3A_207 : memref<128x64xf32, #tpu.memory_space<vmem>>)
    %dma_wait3A_213 = arith.constant 256 : i32
    %dma_wait3A_214 = arith.constant 0 : i32
    %dma_wait3A_215 = tpu.memref_slice %arg6[%dma_wait3A_213, %dma_wait3A_214] : memref<512x64xf32, #tpu.memory_space<vmem>> -> memref<128x64xf32, #tpu.memory_space<vmem>>
    %dma_wait3A_216 = arith.constant 1280 : i32
    %dma_wait3A_217 = tpu.memref_slice %arg5[%dma_wait3A_216] : memref<2048xi32, #tpu.memory_space<vmem>> -> memref<128xi32, #tpu.memory_space<vmem>>
    %dma_wait3A_218 = arith.constant 0 : i32
    %dma_wait3A_219 = arith.constant 0 : i32
    %dma_wait3A_220 = tpu.memref_slice %arg2[%dma_wait3A_218, %dma_wait3A_219] : memref<4096x64xf32, #tpu.memory_space<hbm>> -> memref<4096x64xf32, #tpu.memory_space<hbm>>
    tpu.wait_indirect_dma semaphore(%arg8 : memref<!tpu.dma_semaphore, #tpu.memory_space<semaphore_mem>>) src(%dma_wait3A_220 : memref<4096x64xf32, #tpu.memory_space<hbm>>) dst(%dma_wait3A_215 : memref<128x64xf32, #tpu.memory_space<vmem>>)
    %dma_wait3A_221 = arith.constant 384 : i32
    %dma_wait3A_222 = arith.constant 0 : i32
    %dma_wait3A_223 = tpu.memref_slice %arg6[%dma_wait3A_221, %dma_wait3A_222] : memref<512x64xf32, #tpu.memory_space<vmem>> -> memref<128x64xf32, #tpu.memory_space<vmem>>
    %dma_wait3A_224 = arith.constant 1408 : i32
    %dma_wait3A_225 = tpu.memref_slice %arg5[%dma_wait3A_224] : memref<2048xi32, #tpu.memory_space<vmem>> -> memref<128xi32, #tpu.memory_space<vmem>>
    %dma_wait3A_226 = arith.constant 0 : i32
    %dma_wait3A_227 = arith.constant 0 : i32
    %dma_wait3A_228 = tpu.memref_slice %arg2[%dma_wait3A_226, %dma_wait3A_227] : memref<4096x64xf32, #tpu.memory_space<hbm>> -> memref<4096x64xf32, #tpu.memory_space<hbm>>
    tpu.wait_indirect_dma semaphore(%arg8 : memref<!tpu.dma_semaphore, #tpu.memory_space<semaphore_mem>>) src(%dma_wait3A_228 : memref<4096x64xf32, #tpu.memory_space<hbm>>) dst(%dma_wait3A_223 : memref<128x64xf32, #tpu.memory_space<vmem>>)
    %add3A_229 = arith.constant 1024 : i32
    %add3A_230 = arith.addi %mul3A_2, %add3A_229 : i32
    "tpu.region"() ({
      %run_scoped3A = tpu.sem_alloc : memref<!tpu.dma_semaphore, #tpu.memory_space<semaphore_mem>>
      %dma_start3A_265 = arith.constant 0 : i32
      %dma_start3A_266 = tpu.memref_slice %arg4[%add3A_230, %dma_start3A_265] : memref<65536x64xf32, #tpu.memory_space<hbm>> -> memref<512x64xf32, #tpu.memory_space<hbm>>
      %dma_start3A_267 = arith.constant 0 : i32
      %dma_start3A_268 = tpu.memref_slice %arg4[%add3A_230, %dma_start3A_267] : memref<65536x64xf32, #tpu.memory_space<hbm>> -> memref<512x64xf32, #tpu.memory_space<hbm>>
      tpu.enqueue_dma source(%arg6 : memref<512x64xf32, #tpu.memory_space<vmem>>) target(%dma_start3A_268 : memref<512x64xf32, #tpu.memory_space<hbm>>) target_semaphore(%run_scoped3A : memref<!tpu.dma_semaphore, #tpu.memory_space<semaphore_mem>>)
      %dma_wait3A_269 = arith.constant 0 : i32
      %dma_wait3A_270 = tpu.memref_slice %arg4[%add3A_230, %dma_wait3A_269] : memref<65536x64xf32, #tpu.memory_space<hbm>> -> memref<512x64xf32, #tpu.memory_space<hbm>>
      %dma_wait3A_271 = arith.constant 0 : i32
      %dma_wait3A_272 = tpu.memref_slice %arg4[%add3A_230, %dma_wait3A_271] : memref<65536x64xf32, #tpu.memory_space<hbm>> -> memref<512x64xf32, #tpu.memory_space<hbm>>
      tpu.wait_dma2 semaphore(%run_scoped3A : memref<!tpu.dma_semaphore, #tpu.memory_space<semaphore_mem>>) src(%arg6 : memref<512x64xf32, #tpu.memory_space<vmem>>) dst(%dma_wait3A_272 : memref<512x64xf32, #tpu.memory_space<hbm>>)
      tpu.yield
    }) : () -> ()
    %dma_wait3A_231 = arith.constant 0 : i32
    %dma_wait3A_232 = arith.constant 0 : i32
    %dma_wait3A_233 = tpu.memref_slice %arg7[%dma_wait3A_231, %dma_wait3A_232] : memref<512x64xf32, #tpu.memory_space<vmem>> -> memref<128x64xf32, #tpu.memory_space<vmem>>
    %dma_wait3A_234 = arith.constant 1536 : i32
    %dma_wait3A_235 = tpu.memref_slice %arg5[%dma_wait3A_234] : memref<2048xi32, #tpu.memory_space<vmem>> -> memref<128xi32, #tpu.memory_space<vmem>>
    %dma_wait3A_236 = arith.constant 0 : i32
    %dma_wait3A_237 = arith.constant 0 : i32
    %dma_wait3A_238 = tpu.memref_slice %arg2[%dma_wait3A_236, %dma_wait3A_237] : memref<4096x64xf32, #tpu.memory_space<hbm>> -> memref<4096x64xf32, #tpu.memory_space<hbm>>
    tpu.wait_indirect_dma semaphore(%arg9 : memref<!tpu.dma_semaphore, #tpu.memory_space<semaphore_mem>>) src(%dma_wait3A_238 : memref<4096x64xf32, #tpu.memory_space<hbm>>) dst(%dma_wait3A_233 : memref<128x64xf32, #tpu.memory_space<vmem>>)
    %dma_wait3A_239 = arith.constant 128 : i32
    %dma_wait3A_240 = arith.constant 0 : i32
    %dma_wait3A_241 = tpu.memref_slice %arg7[%dma_wait3A_239, %dma_wait3A_240] : memref<512x64xf32, #tpu.memory_space<vmem>> -> memref<128x64xf32, #tpu.memory_space<vmem>>
    %dma_wait3A_242 = arith.constant 1664 : i32
    %dma_wait3A_243 = tpu.memref_slice %arg5[%dma_wait3A_242] : memref<2048xi32, #tpu.memory_space<vmem>> -> memref<128xi32, #tpu.memory_space<vmem>>
    %dma_wait3A_244 = arith.constant 0 : i32
    %dma_wait3A_245 = arith.constant 0 : i32
    %dma_wait3A_246 = tpu.memref_slice %arg2[%dma_wait3A_244, %dma_wait3A_245] : memref<4096x64xf32, #tpu.memory_space<hbm>> -> memref<4096x64xf32, #tpu.memory_space<hbm>>
    tpu.wait_indirect_dma semaphore(%arg9 : memref<!tpu.dma_semaphore, #tpu.memory_space<semaphore_mem>>) src(%dma_wait3A_246 : memref<4096x64xf32, #tpu.memory_space<hbm>>) dst(%dma_wait3A_241 : memref<128x64xf32, #tpu.memory_space<vmem>>)
    %dma_wait3A_247 = arith.constant 256 : i32
    %dma_wait3A_248 = arith.constant 0 : i32
    %dma_wait3A_249 = tpu.memref_slice %arg7[%dma_wait3A_247, %dma_wait3A_248] : memref<512x64xf32, #tpu.memory_space<vmem>> -> memref<128x64xf32, #tpu.memory_space<vmem>>
    %dma_wait3A_250 = arith.constant 1792 : i32
    %dma_wait3A_251 = tpu.memref_slice %arg5[%dma_wait3A_250] : memref<2048xi32, #tpu.memory_space<vmem>> -> memref<128xi32, #tpu.memory_space<vmem>>
    %dma_wait3A_252 = arith.constant 0 : i32
    %dma_wait3A_253 = arith.constant 0 : i32
    %dma_wait3A_254 = tpu.memref_slice %arg2[%dma_wait3A_252, %dma_wait3A_253] : memref<4096x64xf32, #tpu.memory_space<hbm>> -> memref<4096x64xf32, #tpu.memory_space<hbm>>
    tpu.wait_indirect_dma semaphore(%arg9 : memref<!tpu.dma_semaphore, #tpu.memory_space<semaphore_mem>>) src(%dma_wait3A_254 : memref<4096x64xf32, #tpu.memory_space<hbm>>) dst(%dma_wait3A_249 : memref<128x64xf32, #tpu.memory_space<vmem>>)
    %dma_wait3A_255 = arith.constant 384 : i32
    %dma_wait3A_256 = arith.constant 0 : i32
    %dma_wait3A_257 = tpu.memref_slice %arg7[%dma_wait3A_255, %dma_wait3A_256] : memref<512x64xf32, #tpu.memory_space<vmem>> -> memref<128x64xf32, #tpu.memory_space<vmem>>
    %dma_wait3A_258 = arith.constant 1920 : i32
    %dma_wait3A_259 = tpu.memref_slice %arg5[%dma_wait3A_258] : memref<2048xi32, #tpu.memory_space<vmem>> -> memref<128xi32, #tpu.memory_space<vmem>>
    %dma_wait3A_260 = arith.constant 0 : i32
    %dma_wait3A_261 = arith.constant 0 : i32
    %dma_wait3A_262 = tpu.memref_slice %arg2[%dma_wait3A_260, %dma_wait3A_261] : memref<4096x64xf32, #tpu.memory_space<hbm>> -> memref<4096x64xf32, #tpu.memory_space<hbm>>
    tpu.wait_indirect_dma semaphore(%arg9 : memref<!tpu.dma_semaphore, #tpu.memory_space<semaphore_mem>>) src(%dma_wait3A_262 : memref<4096x64xf32, #tpu.memory_space<hbm>>) dst(%dma_wait3A_257 : memref<128x64xf32, #tpu.memory_space<vmem>>)
    %add3A_263 = arith.constant 1536 : i32
    %add3A_264 = arith.addi %mul3A_2, %add3A_263 : i32
    "tpu.region"() ({
      %run_scoped3A = tpu.sem_alloc : memref<!tpu.dma_semaphore, #tpu.memory_space<semaphore_mem>>
      %dma_start3A_265 = arith.constant 0 : i32
      %dma_start3A_266 = tpu.memref_slice %arg4[%add3A_264, %dma_start3A_265] : memref<65536x64xf32, #tpu.memory_space<hbm>> -> memref<512x64xf32, #tpu.memory_space<hbm>>
      %dma_start3A_267 = arith.constant 0 : i32
      %dma_start3A_268 = tpu.memref_slice %arg4[%add3A_264, %dma_start3A_267] : memref<65536x64xf32, #tpu.memory_space<hbm>> -> memref<512x64xf32, #tpu.memory_space<hbm>>
      tpu.enqueue_dma source(%arg7 : memref<512x64xf32, #tpu.memory_space<vmem>>) target(%dma_start3A_268 : memref<512x64xf32, #tpu.memory_space<hbm>>) target_semaphore(%run_scoped3A : memref<!tpu.dma_semaphore, #tpu.memory_space<semaphore_mem>>)
      %dma_wait3A_269 = arith.constant 0 : i32
      %dma_wait3A_270 = tpu.memref_slice %arg4[%add3A_264, %dma_wait3A_269] : memref<65536x64xf32, #tpu.memory_space<hbm>> -> memref<512x64xf32, #tpu.memory_space<hbm>>
      %dma_wait3A_271 = arith.constant 0 : i32
      %dma_wait3A_272 = tpu.memref_slice %arg4[%add3A_264, %dma_wait3A_271] : memref<65536x64xf32, #tpu.memory_space<hbm>> -> memref<512x64xf32, #tpu.memory_space<hbm>>
      tpu.wait_dma2 semaphore(%run_scoped3A : memref<!tpu.dma_semaphore, #tpu.memory_space<semaphore_mem>>) src(%arg7 : memref<512x64xf32, #tpu.memory_space<vmem>>) dst(%dma_wait3A_272 : memref<512x64xf32, #tpu.memory_space<hbm>>)
      tpu.yield
    }) : () -> ()
    return
  }
}

module attributes {stable_mosaic.version = 14 : i64} {
  func.func @_tc_body(%arg0: i32, %arg1: memref<512x256xf32, #tpu.memory_space<vmem>>, %arg2: memref<4x1024x64xf32, #tpu.memory_space<vmem>>, %arg3: memref<512x4xi32, #tpu.memory_space<vmem>>, %arg4: memref<1x1xf32, #tpu.memory_space<vmem>>, %arg5: memref<4x1024xf32, #tpu.memory_space<vmem>>) attributes {dimension_semantics = [#tpu.dimension_semantics<arbitrary>], iteration_bounds = array<i64: 32>, scalar_prefetch = 0 : i64, scratch_operands = 1 : i64, tpu.core_type = #tpu.core_type<tc>, window_params = [{transform_indices = @transform_0, window_bounds = array<i64: 512, 256>}, {pipeline_mode = #tpu.pipeline_mode<synchronous>, transform_indices = @transform_1, window_bounds = array<i64: 4, 1024, 64>}, {transform_indices = @transform_2, window_bounds = array<i64: 512, 4>}, {pipeline_mode = #tpu.pipeline_mode<synchronous>, transform_indices = @transform_3, window_bounds = array<i64: 1, 1>}]} {
    %eq3A = arith.constant 0 : i32
    %eq3A_0 = arith.cmpi eq, %arg0, %eq3A : i32
    %convert_element_type3A = arith.extui %eq3A_0 : i1 to i32
    %cond3A = arith.constant 0 : i32
    %cond3A_1 = arith.cmpi ne, %convert_element_type3A, %cond3A : i32
    scf.if %cond3A_1 {
      %broadcast_in_dim3A_201 = arith.constant 0.000000e+00 : f32
      %broadcast_in_dim3A_202 = vector.broadcast %broadcast_in_dim3A_201 : f32 to vector<1x1xf32>
      %swap3A_203 = arith.constant 0 : index
      %swap3A_204 = arith.constant 0 : index
      %swap3A_205 = vector.load %arg4[%swap3A_203, %swap3A_204] : memref<1x1xf32, #tpu.memory_space<vmem>>, vector<1x1xf32>
      tpu.vector_store %arg4[%swap3A_203, %swap3A_204], %broadcast_in_dim3A_202 {strides = array<i32>} : memref<1x1xf32, #tpu.memory_space<vmem>>, vector<1x1xf32>,
      %get3A_206 = arith.constant 0 : index
      %get3A_207 = arith.constant 0 : index
      %get3A_208 = arith.constant 0 : index
      %get3A_209 = vector.load %arg2[%get3A_206, %get3A_207, %get3A_208] : memref<4x1024x64xf32, #tpu.memory_space<vmem>>, vector<1x1024x64xf32>
      %get3A_210 = vector.shape_cast %get3A_209 : vector<1x1024x64xf32> to vector<1024x64xf32>
      %mul3A_211 = arith.mulf %get3A_210, %get3A_210 : vector<1024x64xf32>
      %reduce_sum3A_212 = arith.constant dense<0.000000e+00> : vector<1024xf32>
      %reduce_sum3A_213 = vector.multi_reduction <add>, %mul3A_211, %reduce_sum3A_212 [1] : vector<1024x64xf32> to vector<1024xf32>
      %broadcast_in_dim3A_214 = vector.shape_cast %reduce_sum3A_213 : vector<1024xf32> to vector<1x1024xf32>
      %swap3A_215 = arith.constant 0 : index
      %swap3A_216 = arith.constant 0 : index
      %swap3A_217 = vector.load %arg5[%swap3A_215, %swap3A_216] : memref<4x1024xf32, #tpu.memory_space<vmem>>, vector<1x1024xf32>
      tpu.vector_store %arg5[%swap3A_215, %swap3A_216], %broadcast_in_dim3A_214 {strides = array<i32>} : memref<4x1024xf32, #tpu.memory_space<vmem>>, vector<1x1024xf32>,
      %get3A_218 = arith.constant 1 : index
      %get3A_219 = arith.constant 0 : index
      %get3A_220 = arith.constant 0 : index
      %get3A_221 = vector.load %arg2[%get3A_218, %get3A_219, %get3A_220] : memref<4x1024x64xf32, #tpu.memory_space<vmem>>, vector<1x1024x64xf32>
      %get3A_222 = vector.shape_cast %get3A_221 : vector<1x1024x64xf32> to vector<1024x64xf32>
      %mul3A_223 = arith.mulf %get3A_222, %get3A_222 : vector<1024x64xf32>
      %reduce_sum3A_224 = arith.constant dense<0.000000e+00> : vector<1024xf32>
      %reduce_sum3A_225 = vector.multi_reduction <add>, %mul3A_223, %reduce_sum3A_224 [1] : vector<1024x64xf32> to vector<1024xf32>
      %broadcast_in_dim3A_226 = vector.shape_cast %reduce_sum3A_225 : vector<1024xf32> to vector<1x1024xf32>
      %swap3A_227 = arith.constant 1 : index
      %swap3A_228 = arith.constant 0 : index
      %swap3A_229 = vector.load %arg5[%swap3A_227, %swap3A_228] : memref<4x1024xf32, #tpu.memory_space<vmem>>, vector<1x1024xf32>
      tpu.vector_store %arg5[%swap3A_227, %swap3A_228], %broadcast_in_dim3A_226 {strides = array<i32>} : memref<4x1024xf32, #tpu.memory_space<vmem>>, vector<1x1024xf32>,
      %get3A_230 = arith.constant 2 : index
      %get3A_231 = arith.constant 0 : index
      %get3A_232 = arith.constant 0 : index
      %get3A_233 = vector.load %arg2[%get3A_230, %get3A_231, %get3A_232] : memref<4x1024x64xf32, #tpu.memory_space<vmem>>, vector<1x1024x64xf32>
      %get3A_234 = vector.shape_cast %get3A_233 : vector<1x1024x64xf32> to vector<1024x64xf32>
      %mul3A_235 = arith.mulf %get3A_234, %get3A_234 : vector<1024x64xf32>
      %reduce_sum3A_236 = arith.constant dense<0.000000e+00> : vector<1024xf32>
      %reduce_sum3A_237 = vector.multi_reduction <add>, %mul3A_235, %reduce_sum3A_236 [1] : vector<1024x64xf32> to vector<1024xf32>
      %broadcast_in_dim3A_238 = vector.shape_cast %reduce_sum3A_237 : vector<1024xf32> to vector<1x1024xf32>
      %swap3A_239 = arith.constant 2 : index
      %swap3A_240 = arith.constant 0 : index
      %swap3A_241 = vector.load %arg5[%swap3A_239, %swap3A_240] : memref<4x1024xf32, #tpu.memory_space<vmem>>, vector<1x1024xf32>
      tpu.vector_store %arg5[%swap3A_239, %swap3A_240], %broadcast_in_dim3A_238 {strides = array<i32>} : memref<4x1024xf32, #tpu.memory_space<vmem>>, vector<1x1024xf32>,
      %get3A_242 = arith.constant 3 : index
      %get3A_243 = arith.constant 0 : index
      %get3A_244 = arith.constant 0 : index
      %get3A_245 = vector.load %arg2[%get3A_242, %get3A_243, %get3A_244] : memref<4x1024x64xf32, #tpu.memory_space<vmem>>, vector<1x1024x64xf32>
      %get3A_246 = vector.shape_cast %get3A_245 : vector<1x1024x64xf32> to vector<1024x64xf32>
      %mul3A_247 = arith.mulf %get3A_246, %get3A_246 : vector<1024x64xf32>
      %reduce_sum3A_248 = arith.constant dense<0.000000e+00> : vector<1024xf32>
      %reduce_sum3A_249 = vector.multi_reduction <add>, %mul3A_247, %reduce_sum3A_248 [1] : vector<1024x64xf32> to vector<1024xf32>
      %broadcast_in_dim3A_250 = vector.shape_cast %reduce_sum3A_249 : vector<1024xf32> to vector<1x1024xf32>
      %swap3A_251 = arith.constant 3 : index
      %swap3A_252 = arith.constant 0 : index
      %swap3A_253 = vector.load %arg5[%swap3A_251, %swap3A_252] : memref<4x1024xf32, #tpu.memory_space<vmem>>, vector<1x1024xf32>
      tpu.vector_store %arg5[%swap3A_251, %swap3A_252], %broadcast_in_dim3A_250 {strides = array<i32>} : memref<4x1024xf32, #tpu.memory_space<vmem>>, vector<1x1024xf32>,
    } else {
    }
    %iota3A = tpu.iota {dimensions = array<i32: 1>} : vector<512x1024xi32>
    %get3A = arith.constant 0 : index
    %get3A_2 = arith.constant 0 : index
    %get3A_3 = vector.load %arg1[%get3A, %get3A_2] : memref<512x256xf32, #tpu.memory_space<vmem>>, vector<512x64xf32>
    %get3A_4 = arith.constant 0 : index
    %get3A_5 = arith.constant 0 : index
    %get3A_6 = arith.constant 0 : index
    %get3A_7 = vector.load %arg2[%get3A_4, %get3A_5, %get3A_6] : memref<4x1024x64xf32, #tpu.memory_space<vmem>>, vector<1x1024x64xf32>
    %get3A_8 = vector.shape_cast %get3A_7 : vector<1x1024x64xf32> to vector<1024x64xf32>
    %get3A_9 = arith.constant 0 : index
    %get3A_10 = arith.constant 0 : index
    %get3A_11 = arith.constant 0 : index
    %get3A_12 = vector.load %arg2[%get3A_9, %get3A_10, %get3A_11] : memref<4x1024x64xf32, #tpu.memory_space<vmem>>, vector<1x1024x64xf32>
    %get3A_13 = vector.shape_cast %get3A_12 : vector<1x1024x64xf32> to vector<1024x64xf32>
    %add3A = arith.addf %get3A_8, %get3A_13 : vector<1024x64xf32>
    %dot_general3A = arith.constant dense<0.000000e+00> : vector<512x1024xf32>
    %dot_general3A_14 = tpu.matmul %get3A_3, %add3A, %dot_general3A {dimension_numbers = #tpu.dot_dimension_numbers<[1], [1], [0], [0], [0, 0, 1, 0], [], []>, transpose_lhs_hint = false} : vector<512x64xf32>, vector<1024x64xf32>, vector<512x1024xf32> -> vector<512x1024xf32>
    %mul3A = arith.mulf %get3A_3, %get3A_3 : vector<512x64xf32>
    %reduce_sum3A = arith.constant dense<0.000000e+00> : vector<512xf32>
    %reduce_sum3A_15 = vector.multi_reduction <add>, %mul3A, %reduce_sum3A [1] : vector<512x64xf32> to vector<512xf32>
    %broadcast_in_dim3A = vector.shape_cast %reduce_sum3A_15 : vector<512xf32> to vector<512x1xf32>
    %get3A_16 = arith.constant 0 : index
    %get3A_17 = arith.constant 0 : index
    %get3A_18 = vector.load %arg5[%get3A_16, %get3A_17] : memref<4x1024xf32, #tpu.memory_space<vmem>>, vector<1x1024xf32>
    %add3A_19 = vector.broadcast %broadcast_in_dim3A : vector<512x1xf32> to vector<512x1024xf32>
    %add3A_20 = vector.broadcast %get3A_18 : vector<1x1024xf32> to vector<512x1024xf32>
    %add3A_21 = arith.addf %add3A_19, %add3A_20 : vector<512x1024xf32>
    %sub3A = arith.subf %add3A_21, %dot_general3A_14 : vector<512x1024xf32>
    %reduce_min3A = arith.constant dense<0x7F800000> : vector<512xf32>
    %reduce_min3A_22 = vector.multi_reduction <minimumf>, %sub3A, %reduce_min3A [1] : vector<512x1024xf32> to vector<512xf32>
    %broadcast_in_dim3A_23 = vector.shape_cast %reduce_min3A_22 : vector<512xf32> to vector<512x1xf32>
    %eq3A_24 = vector.broadcast %broadcast_in_dim3A_23 : vector<512x1xf32> to vector<512x1024xf32>
    %eq3A_25 = arith.cmpf oeq, %sub3A, %eq3A_24 : vector<512x1024xf32>
    %jit3A = arith.constant 1024 : i32
    %broadcast_in_dim3A_26 = vector.broadcast %jit3A : i32 to vector<512x1024xi32>
    %select_n3A = arith.select %eq3A_25, %iota3A, %broadcast_in_dim3A_26 : vector<512x1024xi1>, vector<512x1024xi32>
    %reduce_min3A_27 = arith.constant dense<2147483647> : vector<512xi32>
    %reduce_min3A_28 = vector.multi_reduction <minsi>, %select_n3A, %reduce_min3A_27 [1] : vector<512x1024xi32> to vector<512xi32>
    %broadcast_in_dim3A_29 = vector.shape_cast %reduce_min3A_28 : vector<512xi32> to vector<512x1xi32>
    %add3A_30 = arith.constant 0 : i32
    %add3A_31 = vector.broadcast %add3A_30 : i32 to vector<512x1xi32>
    %add3A_32 = arith.addi %broadcast_in_dim3A_29, %add3A_31 : vector<512x1xi32>
    %swap3A = arith.constant 0 : index
    %swap3A_33 = arith.constant 0 : index
    %swap3A_34 = vector.load %arg3[%swap3A, %swap3A_33] : memref<512x4xi32, #tpu.memory_space<vmem>>, vector<512x1xi32>
    tpu.vector_store %arg3[%swap3A, %swap3A_33], %add3A_32 {strides = array<i32>} : memref<512x4xi32, #tpu.memory_space<vmem>>, vector<512x1xi32>,
    %reduce_sum3A_35 = vector.shape_cast %broadcast_in_dim3A_23 : vector<512x1xf32> to vector<1x512x1xf32>
    %reduce_sum3A_36 = arith.constant dense<0.000000e+00> : vector<1xf32>
    %reduce_sum3A_37 = vector.multi_reduction <add>, %reduce_sum3A_35, %reduce_sum3A_36 [1, 2] : vector<1x512x1xf32> to vector<1xf32>
    %reduce_sum3A_38 = vector.shape_cast %reduce_sum3A_37 : vector<1xf32> to vector<1x1x1xf32>
    %reduce_sum3A_39 = vector.extract %reduce_sum3A_38[0, 0, 0] : f32 from vector<1x1x1xf32>
    %add3A_40 = arith.constant 0.000000e+00 : f32
    %add3A_41 = arith.addf %add3A_40, %reduce_sum3A_39 : f32
    %get3A_42 = arith.constant 0 : index
    %get3A_43 = arith.constant 1 : index
    %get3A_44 = vector.load %arg1[%get3A_42, %get3A_43] : memref<512x256xf32, #tpu.memory_space<vmem>>, vector<512x64xf32>
    %get3A_45 = arith.constant 1 : index
    %get3A_46 = arith.constant 0 : index
    %get3A_47 = arith.constant 0 : index
    %get3A_48 = vector.load %arg2[%get3A_45, %get3A_46, %get3A_47] : memref<4x1024x64xf32, #tpu.memory_space<vmem>>, vector<1x1024x64xf32>
    %get3A_49 = vector.shape_cast %get3A_48 : vector<1x1024x64xf32> to vector<1024x64xf32>
    %get3A_50 = arith.constant 1 : index
    %get3A_51 = arith.constant 0 : index
    %get3A_52 = arith.constant 0 : index
    %get3A_53 = vector.load %arg2[%get3A_50, %get3A_51, %get3A_52] : memref<4x1024x64xf32, #tpu.memory_space<vmem>>, vector<1x1024x64xf32>
    %get3A_54 = vector.shape_cast %get3A_53 : vector<1x1024x64xf32> to vector<1024x64xf32>
    %add3A_55 = arith.addf %get3A_49, %get3A_54 : vector<1024x64xf32>
    %dot_general3A_56 = arith.constant dense<0.000000e+00> : vector<512x1024xf32>
    %dot_general3A_57 = tpu.matmul %get3A_44, %add3A_55, %dot_general3A_56 {dimension_numbers = #tpu.dot_dimension_numbers<[1], [1], [0], [0], [0, 0, 1, 0], [], []>, transpose_lhs_hint = false} : vector<512x64xf32>, vector<1024x64xf32>, vector<512x1024xf32> -> vector<512x1024xf32>
    %mul3A_58 = arith.mulf %get3A_44, %get3A_44 : vector<512x64xf32>
    %reduce_sum3A_59 = arith.constant dense<0.000000e+00> : vector<512xf32>
    %reduce_sum3A_60 = vector.multi_reduction <add>, %mul3A_58, %reduce_sum3A_59 [1] : vector<512x64xf32> to vector<512xf32>
    %broadcast_in_dim3A_61 = vector.shape_cast %reduce_sum3A_60 : vector<512xf32> to vector<512x1xf32>
    %get3A_62 = arith.constant 1 : index
    %get3A_63 = arith.constant 0 : index
    %get3A_64 = vector.load %arg5[%get3A_62, %get3A_63] : memref<4x1024xf32, #tpu.memory_space<vmem>>, vector<1x1024xf32>
    %add3A_65 = vector.broadcast %broadcast_in_dim3A_61 : vector<512x1xf32> to vector<512x1024xf32>
    %add3A_66 = vector.broadcast %get3A_64 : vector<1x1024xf32> to vector<512x1024xf32>
    %add3A_67 = arith.addf %add3A_65, %add3A_66 : vector<512x1024xf32>
    %sub3A_68 = arith.subf %add3A_67, %dot_general3A_57 : vector<512x1024xf32>
    %reduce_min3A_69 = arith.constant dense<0x7F800000> : vector<512xf32>
    %reduce_min3A_70 = vector.multi_reduction <minimumf>, %sub3A_68, %reduce_min3A_69 [1] : vector<512x1024xf32> to vector<512xf32>
    %broadcast_in_dim3A_71 = vector.shape_cast %reduce_min3A_70 : vector<512xf32> to vector<512x1xf32>
    %eq3A_72 = vector.broadcast %broadcast_in_dim3A_71 : vector<512x1xf32> to vector<512x1024xf32>
    %eq3A_73 = arith.cmpf oeq, %sub3A_68, %eq3A_72 : vector<512x1024xf32>
    %jit3A_74 = arith.constant 1024 : i32
    %broadcast_in_dim3A_75 = vector.broadcast %jit3A_74 : i32 to vector<512x1024xi32>
    %select_n3A_76 = arith.select %eq3A_73, %iota3A, %broadcast_in_dim3A_75 : vector<512x1024xi1>, vector<512x1024xi32>
    %reduce_min3A_77 = arith.constant dense<2147483647> : vector<512xi32>
    %reduce_min3A_78 = vector.multi_reduction <minsi>, %select_n3A_76, %reduce_min3A_77 [1] : vector<512x1024xi32> to vector<512xi32>
    %broadcast_in_dim3A_79 = vector.shape_cast %reduce_min3A_78 : vector<512xi32> to vector<512x1xi32>
    %add3A_80 = arith.constant 1024 : i32
    %add3A_81 = vector.broadcast %add3A_80 : i32 to vector<512x1xi32>
    %add3A_82 = arith.addi %broadcast_in_dim3A_79, %add3A_81 : vector<512x1xi32>
    %swap3A_83 = arith.constant 0 : index
    %swap3A_84 = arith.constant 1 : index
    %swap3A_85 = vector.load %arg3[%swap3A_83, %swap3A_84] : memref<512x4xi32, #tpu.memory_space<vmem>>, vector<512x1xi32>
    tpu.vector_store %arg3[%swap3A_83, %swap3A_84], %add3A_82 {strides = array<i32>} : memref<512x4xi32, #tpu.memory_space<vmem>>, vector<512x1xi32>,
    %reduce_sum3A_86 = vector.shape_cast %broadcast_in_dim3A_71 : vector<512x1xf32> to vector<1x512x1xf32>
    %reduce_sum3A_87 = arith.constant dense<0.000000e+00> : vector<1xf32>
    %reduce_sum3A_88 = vector.multi_reduction <add>, %reduce_sum3A_86, %reduce_sum3A_87 [1, 2] : vector<1x512x1xf32> to vector<1xf32>
    %reduce_sum3A_89 = vector.shape_cast %reduce_sum3A_88 : vector<1xf32> to vector<1x1x1xf32>
    %reduce_sum3A_90 = vector.extract %reduce_sum3A_89[0, 0, 0] : f32 from vector<1x1x1xf32>
    %add3A_91 = arith.addf %add3A_41, %reduce_sum3A_90 : f32
    %get3A_92 = arith.constant 0 : index
    %get3A_93 = arith.constant 2 : index
    %get3A_94 = vector.load %arg1[%get3A_92, %get3A_93] : memref<512x256xf32, #tpu.memory_space<vmem>>, vector<512x64xf32>
    %get3A_95 = arith.constant 2 : index
    %get3A_96 = arith.constant 0 : index
    %get3A_97 = arith.constant 0 : index
    %get3A_98 = vector.load %arg2[%get3A_95, %get3A_96, %get3A_97] : memref<4x1024x64xf32, #tpu.memory_space<vmem>>, vector<1x1024x64xf32>
    %get3A_99 = vector.shape_cast %get3A_98 : vector<1x1024x64xf32> to vector<1024x64xf32>
    %get3A_100 = arith.constant 2 : index
    %get3A_101 = arith.constant 0 : index
    %get3A_102 = arith.constant 0 : index
    %get3A_103 = vector.load %arg2[%get3A_100, %get3A_101, %get3A_102] : memref<4x1024x64xf32, #tpu.memory_space<vmem>>, vector<1x1024x64xf32>
    %get3A_104 = vector.shape_cast %get3A_103 : vector<1x1024x64xf32> to vector<1024x64xf32>
    %add3A_105 = arith.addf %get3A_99, %get3A_104 : vector<1024x64xf32>
    %dot_general3A_106 = arith.constant dense<0.000000e+00> : vector<512x1024xf32>
    %dot_general3A_107 = tpu.matmul %get3A_94, %add3A_105, %dot_general3A_106 {dimension_numbers = #tpu.dot_dimension_numbers<[1], [1], [0], [0], [0, 0, 1, 0], [], []>, transpose_lhs_hint = false} : vector<512x64xf32>, vector<1024x64xf32>, vector<512x1024xf32> -> vector<512x1024xf32>
    %mul3A_108 = arith.mulf %get3A_94, %get3A_94 : vector<512x64xf32>
    %reduce_sum3A_109 = arith.constant dense<0.000000e+00> : vector<512xf32>
    %reduce_sum3A_110 = vector.multi_reduction <add>, %mul3A_108, %reduce_sum3A_109 [1] : vector<512x64xf32> to vector<512xf32>
    %broadcast_in_dim3A_111 = vector.shape_cast %reduce_sum3A_110 : vector<512xf32> to vector<512x1xf32>
    %get3A_112 = arith.constant 2 : index
    %get3A_113 = arith.constant 0 : index
    %get3A_114 = vector.load %arg5[%get3A_112, %get3A_113] : memref<4x1024xf32, #tpu.memory_space<vmem>>, vector<1x1024xf32>
    %add3A_115 = vector.broadcast %broadcast_in_dim3A_111 : vector<512x1xf32> to vector<512x1024xf32>
    %add3A_116 = vector.broadcast %get3A_114 : vector<1x1024xf32> to vector<512x1024xf32>
    %add3A_117 = arith.addf %add3A_115, %add3A_116 : vector<512x1024xf32>
    %sub3A_118 = arith.subf %add3A_117, %dot_general3A_107 : vector<512x1024xf32>
    %reduce_min3A_119 = arith.constant dense<0x7F800000> : vector<512xf32>
    %reduce_min3A_120 = vector.multi_reduction <minimumf>, %sub3A_118, %reduce_min3A_119 [1] : vector<512x1024xf32> to vector<512xf32>
    %broadcast_in_dim3A_121 = vector.shape_cast %reduce_min3A_120 : vector<512xf32> to vector<512x1xf32>
    %eq3A_122 = vector.broadcast %broadcast_in_dim3A_121 : vector<512x1xf32> to vector<512x1024xf32>
    %eq3A_123 = arith.cmpf oeq, %sub3A_118, %eq3A_122 : vector<512x1024xf32>
    %jit3A_124 = arith.constant 1024 : i32
    %broadcast_in_dim3A_125 = vector.broadcast %jit3A_124 : i32 to vector<512x1024xi32>
    %select_n3A_126 = arith.select %eq3A_123, %iota3A, %broadcast_in_dim3A_125 : vector<512x1024xi1>, vector<512x1024xi32>
    %reduce_min3A_127 = arith.constant dense<2147483647> : vector<512xi32>
    %reduce_min3A_128 = vector.multi_reduction <minsi>, %select_n3A_126, %reduce_min3A_127 [1] : vector<512x1024xi32> to vector<512xi32>
    %broadcast_in_dim3A_129 = vector.shape_cast %reduce_min3A_128 : vector<512xi32> to vector<512x1xi32>
    %add3A_130 = arith.constant 2048 : i32
    %add3A_131 = vector.broadcast %add3A_130 : i32 to vector<512x1xi32>
    %add3A_132 = arith.addi %broadcast_in_dim3A_129, %add3A_131 : vector<512x1xi32>
    %swap3A_133 = arith.constant 0 : index
    %swap3A_134 = arith.constant 2 : index
    %swap3A_135 = vector.load %arg3[%swap3A_133, %swap3A_134] : memref<512x4xi32, #tpu.memory_space<vmem>>, vector<512x1xi32>
    tpu.vector_store %arg3[%swap3A_133, %swap3A_134], %add3A_132 {strides = array<i32>} : memref<512x4xi32, #tpu.memory_space<vmem>>, vector<512x1xi32>,
    %reduce_sum3A_136 = vector.shape_cast %broadcast_in_dim3A_121 : vector<512x1xf32> to vector<1x512x1xf32>
    %reduce_sum3A_137 = arith.constant dense<0.000000e+00> : vector<1xf32>
    %reduce_sum3A_138 = vector.multi_reduction <add>, %reduce_sum3A_136, %reduce_sum3A_137 [1, 2] : vector<1x512x1xf32> to vector<1xf32>
    %reduce_sum3A_139 = vector.shape_cast %reduce_sum3A_138 : vector<1xf32> to vector<1x1x1xf32>
    %reduce_sum3A_140 = vector.extract %reduce_sum3A_139[0, 0, 0] : f32 from vector<1x1x1xf32>
    %add3A_141 = arith.addf %add3A_91, %reduce_sum3A_140 : f32
    %get3A_142 = arith.constant 0 : index
    %get3A_143 = arith.constant 3 : index
    %get3A_144 = vector.load %arg1[%get3A_142, %get3A_143] : memref<512x256xf32, #tpu.memory_space<vmem>>, vector<512x64xf32>
    %get3A_145 = arith.constant 3 : index
    %get3A_146 = arith.constant 0 : index
    %get3A_147 = arith.constant 0 : index
    %get3A_148 = vector.load %arg2[%get3A_145, %get3A_146, %get3A_147] : memref<4x1024x64xf32, #tpu.memory_space<vmem>>, vector<1x1024x64xf32>
    %get3A_149 = vector.shape_cast %get3A_148 : vector<1x1024x64xf32> to vector<1024x64xf32>
    %get3A_150 = arith.constant 3 : index
    %get3A_151 = arith.constant 0 : index
    %get3A_152 = arith.constant 0 : index
    %get3A_153 = vector.load %arg2[%get3A_150, %get3A_151, %get3A_152] : memref<4x1024x64xf32, #tpu.memory_space<vmem>>, vector<1x1024x64xf32>
    %get3A_154 = vector.shape_cast %get3A_153 : vector<1x1024x64xf32> to vector<1024x64xf32>
    %add3A_155 = arith.addf %get3A_149, %get3A_154 : vector<1024x64xf32>
    %dot_general3A_156 = arith.constant dense<0.000000e+00> : vector<512x1024xf32>
    %dot_general3A_157 = tpu.matmul %get3A_144, %add3A_155, %dot_general3A_156 {dimension_numbers = #tpu.dot_dimension_numbers<[1], [1], [0], [0], [0, 0, 1, 0], [], []>, transpose_lhs_hint = false} : vector<512x64xf32>, vector<1024x64xf32>, vector<512x1024xf32> -> vector<512x1024xf32>
    %mul3A_158 = arith.mulf %get3A_144, %get3A_144 : vector<512x64xf32>
    %reduce_sum3A_159 = arith.constant dense<0.000000e+00> : vector<512xf32>
    %reduce_sum3A_160 = vector.multi_reduction <add>, %mul3A_158, %reduce_sum3A_159 [1] : vector<512x64xf32> to vector<512xf32>
    %broadcast_in_dim3A_161 = vector.shape_cast %reduce_sum3A_160 : vector<512xf32> to vector<512x1xf32>
    %get3A_162 = arith.constant 3 : index
    %get3A_163 = arith.constant 0 : index
    %get3A_164 = vector.load %arg5[%get3A_162, %get3A_163] : memref<4x1024xf32, #tpu.memory_space<vmem>>, vector<1x1024xf32>
    %add3A_165 = vector.broadcast %broadcast_in_dim3A_161 : vector<512x1xf32> to vector<512x1024xf32>
    %add3A_166 = vector.broadcast %get3A_164 : vector<1x1024xf32> to vector<512x1024xf32>
    %add3A_167 = arith.addf %add3A_165, %add3A_166 : vector<512x1024xf32>
    %sub3A_168 = arith.subf %add3A_167, %dot_general3A_157 : vector<512x1024xf32>
    %reduce_min3A_169 = arith.constant dense<0x7F800000> : vector<512xf32>
    %reduce_min3A_170 = vector.multi_reduction <minimumf>, %sub3A_168, %reduce_min3A_169 [1] : vector<512x1024xf32> to vector<512xf32>
    %broadcast_in_dim3A_171 = vector.shape_cast %reduce_min3A_170 : vector<512xf32> to vector<512x1xf32>
    %eq3A_172 = vector.broadcast %broadcast_in_dim3A_171 : vector<512x1xf32> to vector<512x1024xf32>
    %eq3A_173 = arith.cmpf oeq, %sub3A_168, %eq3A_172 : vector<512x1024xf32>
    %jit3A_174 = arith.constant 1024 : i32
    %broadcast_in_dim3A_175 = vector.broadcast %jit3A_174 : i32 to vector<512x1024xi32>
    %select_n3A_176 = arith.select %eq3A_173, %iota3A, %broadcast_in_dim3A_175 : vector<512x1024xi1>, vector<512x1024xi32>
    %reduce_min3A_177 = arith.constant dense<2147483647> : vector<512xi32>
    %reduce_min3A_178 = vector.multi_reduction <minsi>, %select_n3A_176, %reduce_min3A_177 [1] : vector<512x1024xi32> to vector<512xi32>
    %broadcast_in_dim3A_179 = vector.shape_cast %reduce_min3A_178 : vector<512xi32> to vector<512x1xi32>
    %add3A_180 = arith.constant 3072 : i32
    %add3A_181 = vector.broadcast %add3A_180 : i32 to vector<512x1xi32>
    %add3A_182 = arith.addi %broadcast_in_dim3A_179, %add3A_181 : vector<512x1xi32>
    %swap3A_183 = arith.constant 0 : index
    %swap3A_184 = arith.constant 3 : index
    %swap3A_185 = vector.load %arg3[%swap3A_183, %swap3A_184] : memref<512x4xi32, #tpu.memory_space<vmem>>, vector<512x1xi32>
    tpu.vector_store %arg3[%swap3A_183, %swap3A_184], %add3A_182 {strides = array<i32>} : memref<512x4xi32, #tpu.memory_space<vmem>>, vector<512x1xi32>,
    %reduce_sum3A_186 = vector.shape_cast %broadcast_in_dim3A_171 : vector<512x1xf32> to vector<1x512x1xf32>
    %reduce_sum3A_187 = arith.constant dense<0.000000e+00> : vector<1xf32>
    %reduce_sum3A_188 = vector.multi_reduction <add>, %reduce_sum3A_186, %reduce_sum3A_187 [1, 2] : vector<1x512x1xf32> to vector<1xf32>
    %reduce_sum3A_189 = vector.shape_cast %reduce_sum3A_188 : vector<1xf32> to vector<1x1x1xf32>
    %reduce_sum3A_190 = vector.extract %reduce_sum3A_189[0, 0, 0] : f32 from vector<1x1x1xf32>
    %add3A_191 = arith.addf %add3A_141, %reduce_sum3A_190 : f32
    %get3A_192 = arith.constant 0 : index
    %get3A_193 = arith.constant 0 : index
    %get3A_194 = vector.load %arg4[%get3A_192, %get3A_193] : memref<1x1xf32, #tpu.memory_space<vmem>>, vector<1x1xf32>
    %mul3A_195 = arith.constant 1.1920929E-6 : f32
    %mul3A_196 = arith.mulf %add3A_191, %mul3A_195 : f32
    %reshape3A = vector.broadcast %mul3A_196 : f32 to vector<1x1xf32>
    %add3A_197 = arith.addf %get3A_194, %reshape3A : vector<1x1xf32>
    %swap3A_198 = arith.constant 0 : index
    %swap3A_199 = arith.constant 0 : index
    %swap3A_200 = vector.load %arg4[%swap3A_198, %swap3A_199] : memref<1x1xf32, #tpu.memory_space<vmem>>, vector<1x1xf32>
    tpu.vector_store %arg4[%swap3A_198, %swap3A_199], %add3A_197 {strides = array<i32>} : memref<1x1xf32, #tpu.memory_space<vmem>>, vector<1x1xf32>,
    return
  }
  func.func @transform_0(%arg0: i32) -> (i32, i32) {
    %c0_i32 = arith.constant 0 : i32
    %c0_i32_0 = arith.constant 0 : i32
    return %arg0, %c0_i32 : i32, i32
  }
  func.func @transform_1(%arg0: i32) -> (i32, i32, i32) {
    %c0_i32 = arith.constant 0 : i32
    %c0_i32_0 = arith.constant 0 : i32
    %c0_i32_1 = arith.constant 0 : i32
    %c0_i32_2 = arith.constant 0 : i32
    return %c0_i32, %c0_i32_0, %c0_i32_1 : i32, i32, i32
  }
  func.func @transform_2(%arg0: i32) -> (i32, i32) {
    %c0_i32 = arith.constant 0 : i32
    %c0_i32_0 = arith.constant 0 : i32
    return %arg0, %c0_i32 : i32, i32
  }
  func.func @transform_3(%arg0: i32) -> (i32, i32) {
    %c0_i32 = arith.constant 0 : i32
    %c0_i32_0 = arith.constant 0 : i32
    %c0_i32_1 = arith.constant 0 : i32
    return %c0_i32, %c0_i32_0 : i32, i32
  }
}

</mosaic_0001>

<sc_bundles>
// kernel: kernel.4.cloned.1.call-start
scs
__scs_entry_jumppad:
0x0: {  	(pc) =	sbr.rel $0x88, $3  }
0x1: {  	(tag) =	ssettag $0x0;
	lr =	simm.s32 $0x1  }
0x2: {  	[smem:$0x3F9F] =	sst lr;
	_ =	strace $0xD0000000  }
0x3: {  	_ = 	snop  }
0x4: {  	_ = 	snop  }
0x5: {  	_ = 	snop  }
0x6: {  	_ = 	snop  }
0x7: {  	_ = 	snop  }
__scs_overlays_trampoline_lowered:
0x8: {  	[smem:$0x3FAE] =	sst s0  }
0x9: {  	[smem:$0x3FAF] =	sst s1  }
0xa: {  	[smem:$0x3FB0] =	sst s2  }
0xb: {  	[smem:$0x3FB1] =	sst s3  }
0xc: {  	[smem:$0x3FB2] =	sst s4  }
0xd: {  	[smem:$0x3FB3] =	sst s5  }
0xe: {  	[smem:$0x3FB4] =	sst s6  }
0xf: {  	[smem:$0x3FB5] =	sst s7  }
0x10: {  	[smem:$0x3FB6] =	sst s8  }
0x11: {  	[smem:$0x3FB7] =	sst s9;
	s0 =	simm.s32 @!p0 $0x0  }
0x12: {  	s1 =	sld [smem:$0x3F9D];
	s0 =	simm.s32 @p0 $0x1  }
0x13: {  	[smem:$0x3FB8] =	sst s0;
	s0 =	simm.s32 @!p1 $0x0  }
0x14: {  	s2 =	sld [smem:$0x3F9C];
	s0 =	simm.s32 @p1 $0x1  }
0x15: {  	[smem:$0x3FB9] =	sst s0;
	s0 =	simm.s32 @!p2 $0x0  }
0x16: {  	s3 =	sld [smem:$0x3FDB];
	s0 =	simm.s32 @p2 $0x1  }
0x17: {  	s4 =	simm.s32 $0x1BF5;
	[smem:$0x3FBB] =	sst s0  }
0x18: {  	s0 =	sld [smem:$0x3F9E];
	_ =	swait.ge [sflag:s4], $0x0  }
0x19: {  	s7 =	sld [smem:$0x3F9F]  }
0x1a: {  	s8 =	sadd.s32 $0xFFFFE003, lr  }
0x1b: {  	s9 =	sadd.s32 $0xFFFFFEF7, lr;
	s5 =	simm.s32 $0xFFFFFFFF;
	p2 =	slt.u32 s8, $0xFFFFF086  }
0x1c: {  	p1 =	slt.u32 s9, $0xF7A;
	s5 =	simm.s32 @!p2 $0x0  }
0x1d: {  	s5 =	simm.s32 @p1 $0x1;
	p0 =	seq.s32 s7, s2  }
0x1e: {  	s7 =	smul.u32 @!p0 $0xF7A, s2;
	p2 =	seq.s32 @!p0 s5, $0x0  }
0x1f: {  	s9 =	smul.u32 $0xF7A, s1;
	s8 =	simm.s32 @!p0 $0x1BF5;
	p2 =	por !p2, p0  }
0x20: {  	[sflag:s8] =	ssyncset.s32 @!p0 $0xFFFFF086;
	s6 =	sadd.s32 @!p0 s3, s7;
	s7 =	simm.s32 @!p0 $0x108  }
0x21: {  	s3 =	sadd.s32 s3, s9;
	s6 =	sadd.s32 @!p0 $0x88, s6;
	s7 =	simm.s32 @p2 $0x1082  }
0x22: {  	[simem:s7], [sflag:s8] =	dma.local @!p0 [hbm:s6], $0xF7A  }
0x23: {  	s9 =	sor.u32 $0xD0000000, s2;
	s6 =	simm.s32 $0x108;
	_ =	swait.ge @!p0 [sflag:s8], $0x0  }
0x24: {  	s3 =	sadd.s32 $0x88, s3;
	s6 =	simm.s32 @!p1 $0x1082;
	[sflag:s4] =	ssyncset.s32 $0xFFFFF086  }
0x25: {  	[simem:s6], [sflag:s4] =	dma.local [hbm:s3], $0xF7A  }
0x26: {  	[smem:$0x3F9F] =	sst s1;
	(tag) =	ssettag s2;
	_ =	strace s9  }
0x27: {  	s1 =	sld [smem:$0x3FAF]  }
0x28: {  	s2 =	sld [smem:$0x3FB0]  }
0x29: {  	s4 =	sld [smem:$0x3FB2]  }
0x2a: {  	p0 =	seq.s32 s5, $0x0;
	s5 =	sld [smem:$0x3FB3]  }
0x2b: {  	s6 =	sld [smem:$0x3FB4]  }
0x2c: {  	s7 =	sld [smem:$0x3FB5]  }
0x2d: {  	s3 =	simm.s32 $0x108;
	s8 =	sld [smem:$0x3FB6]  }
0x2e: {  	s3 =	simm.s32 @!p0 $0x1082;
	s9 =	sld [smem:$0x3FB7]  }
0x2f: {  	lr =	sadd.s32 s0, s3;
	s0 =	sld [smem:$0x3FAE]  }
0x30: {  	s3 =	sld [smem:$0x3FB1]  }
0x31: {  	[smem:$0x3FBA] =	sst s10  }
0x32: {  	s10 =	sld [smem:$0x3FB8];
	_ =	sdelay $0x3  }
0x33: {  	p0 =	seq.s32 s10, $0x1;
	s10 =	sld [smem:$0x3FBA];
	_ =	sdelay $0x3  }
0x34: {  	[smem:$0x3FBA] =	sst s10  }
0x35: {  	s10 =	sld [smem:$0x3FB9];
	_ =	sdelay $0x3  }
0x36: {  	p1 =	seq.s32 s10, $0x1;
	s10 =	sld [smem:$0x3FBA];
	_ =	sdelay $0x3  }
0x37: {  	[smem:$0x3FBA] =	sst s10  }
0x38: {  	s10 =	sld [smem:$0x3FBB]  }
0x39: {  	_ = 	snop;
	(pc) =	sbr.ind lr, $3  }
0x3a: {  	_ = 	snop  }
0x3b: {  	_ = 	snop  }
0x3c: {  	p2 =	seq.s32 s10, $0x1;
	s10 =	sld [smem:$0x3FBA]  }
0x3d: {  	_ =	shalt  }
0x3e: {  	_ =	shalt  }
0x3f: {  	_ =	shalt  }
0x40: {  	_ =	shalt  }
0x41: {  	_ =	shalt  }
0x42: {  	_ =	shalt  }
0x43: {  	_ =	shalt  }
0x44: {  	_ =	shalt  }
0x45: {  	_ =	shalt  }
0x46: {  	_ =	shalt  }
0x47: {  	_ =	shalt  }
0x48: {  	_ =	shalt  }
0x49: {  	_ =	shalt  }
0x4a: {  	_ =	shalt  }
0x4b: {  	_ =	shalt  }
0x4c: {  	_ =	shalt  }
0x4d: {  	_ =	shalt  }
0x4e: {  	_ =	shalt  }
0x4f: {  	_ =	shalt  }
0x50: {  	_ =	shalt  }
0x51: {  	_ =	shalt  }
0x52: {  	_ =	shalt  }
0x53: {  	_ =	shalt  }
0x54: {  	_ =	shalt  }
0x55: {  	_ =	shalt  }
0x56: {  	_ =	shalt  }
0x57: {  	_ =	shalt  }
0x58: {  	_ =	shalt  }
0x59: {  	_ =	shalt  }
0x5a: {  	_ =	shalt  }
0x5b: {  	_ =	shalt  }
0x5c: {  	_ =	shalt  }
0x5d: {  	_ =	shalt  }
0x5e: {  	_ =	shalt  }
0x5f: {  	_ =	shalt  }
0x60: {  	_ =	shalt  }
0x61: {  	_ =	shalt  }
0x62: {  	_ =	shalt  }
0x63: {  	_ =	shalt  }
0x64: {  	_ =	shalt  }
0x65: {  	_ =	shalt  }
0x66: {  	_ =	shalt  }
0x67: {  	_ =	shalt  }
0x68: {  	_ =	shalt  }
0x69: {  	_ =	shalt  }
0x6a: {  	_ =	shalt  }
0x6b: {  	_ =	shalt  }
0x6c: {  	_ =	shalt  }
0x6d: {  	_ =	shalt  }
0x6e: {  	_ =	shalt  }
0x6f: {  	_ =	shalt  }
0x70: {  	_ =	shalt  }
0x71: {  	_ =	shalt  }
0x72: {  	_ =	shalt  }
0x73: {  	_ =	shalt  }
0x74: {  	_ =	shalt  }
0x75: {  	_ =	shalt  }
0x76: {  	_ =	shalt  }
0x77: {  	_ =	shalt  }
0x78: {  	_ =	shalt  }
0x79: {  	_ =	shalt  }
0x7a: {  	_ =	shalt  }
0x7b: {  	_ =	shalt  }
0x7c: {  	_ =	shalt  }
0x7d: {  	_ =	shalt  }
0x7e: {  	_ =	shalt  }
0x7f: {  	_ =	shalt  }
0x80: {  	_ =	shalt  }
0x81: {  	_ =	shalt  }
0x82: {  	_ =	shalt  }
0x83: {  	_ =	shalt  }
0x84: {  	_ =	shalt  }
0x85: {  	_ =	shalt  }
0x86: {  	_ =	shalt  }
0x87: {  	_ =	shalt  }
.Lfunc_end0:
.L_simem_size_0:
called_computation_lowered:
.L_overlay_start_0:
0x88: {  	s2 =	sld [smem:$0x3FD9]  }
0x89: {  	s3 =	sld [smem:$0x3FFE];
	_ =	sdelay $0x1  }
0x8a: {  	s1 =	srdreg.scid  }
0x8b: {  	s0 =	sand.u32 $0x1, s1  }
0x8c: {  	s14 =	sshll.u32 s0, $0xA;
	s2 =	sadd.s32 s3, s2  }
0x8d: {  	s2 =	sadd.s32 s2, s14  }
0x8e: {  	[smem:$0x3FC6] =	sst s2  }
0x8f: {  	_ = 	snop  }
0x90: {  	s2 =	sld [smem:$0x3FD0];
	_ =	sdelay $0x2  }
0x91: {  	s15 =	simm.s32 $0xA;
	s4 =	simm.s32 $0x10  }
0x92: {  	[smem:s4], [sflag:s15] =	dma.local [hbm:s2], $0x1  }
0x93: {  	_ =	swait.eq [sflag:s15], $0x1  }
0x94: {  	[sflag:s15] =	ssyncset.done $0x0  }
0x95: {  	[sflag:s15] =	ssyncadd.s32 $0xFFFFFFFF  }
0x96: {  	s16 =	sld [smem:$0x10];
	(tm) =	ssettm $0x1  }
0x97: {  	s17 =	sld [smem:$0x3FFB];
	_ =	sdelay $0x3  }
0x98: {  	_ =	strace s17  }
0x99: {  	s3 =	sld [smem:$0x3FFC];
	_ =	sdelay $0x3  }
0x9a: {  	_ =	strace s3  }
0x9b: {  	s3 =	sld [smem:$0x3FFD];
	_ =	sdelay $0x3  }
0x9c: {  	_ =	strace s3  }
0x9d: {  	_ =	strace $0x8FFFFFFF  }
0x9e: {  	s18 =	sld [smem:$0x3FDB];
	_ =	sdelay $0x1  }
0x9f: {  	s19 =	simm.s32 $_scs_section_size  }
0xa0: {  	s5 =	simm.s32 $_size__tile_overlayer_lowered;
	s6 =	simm.s32 $_tile_overlayer_lowered  }
0xa1: {  	s22 =	simm.s32 $0x1BFF;
	s21 =	sshll.u32 s6, $0x1;
	s3 =	sadd.s32 s19, s18  }
0xa2: {  	s7 =	simm.s32 $0x0;
	s20 =	sshll.u32 s5, $0x1;
	s5 =	sadd.s32 s21, s3  }
0xa3: {  	[timem:s7], [sflag:s22] =	dma.local [hbm:s5], s20  }
0xa4: {  	_ =	swait.ge [sflag:s22], s20  }
0xa5: {  	s4 =	ssub.s32 $0x0, s20;
	[sflag:s22] =	ssyncset.done $0x0  }
0xa6: {  	[sflag:s22] =	ssyncadd.s32 s4;
	_ =	sdelay $0x1  }
0xa7: {  	s23 =	simm.s32 $0x1B8B  }
0xa8: {  	_ =	swait.ge [sflag:s23], $0x1  }
0xa9: {  	[sflag:s23] =	ssyncset.done $0x0  }
0xaa: {  	s25 =	simm.s32 $0x1B8E;
	s24 =	sld [smem:$0x3FFE];
	[sflag:s23] =	ssyncadd.s32 $0xFFFFFFFF  }
0xab: {  	s26 =	simm.s32 $execute0_lowered;
	[smem:$0x3FD2] =	sst s25  }
0xac: {  	s5 =	sshll.u32 s26, $0x1;
	_ =	strace $0x80000046;
	[dreg:$0x1] =	wrdreg $0xFFFFFFFF  }
0xad: {  	s28 =	simm.s32 $_size_execute0_lowered;
	s3 =	sadd.s32 s3, s5;
	[dreg:$0x0] =	wrdreg $0x0  }
0xae: {  	s5 =	sshll.u32 s28, $0x1;
	[dreg:$0x2] =	wrdreg s3  }
0xaf: {  	[dreg:$0x3] =	wrdreg s5  }
0xb0: {  	[dreg:$0x4] =	wrdreg $0xC0  }
0xb1: {  	_ =	task [dreg:s7], $0x5FFFF  }
0xb2: {  	[dreg:$0x1] =	wrdreg $0xFFFFFFFF  }
0xb3: {  	[dreg:$0x0] =	wrdreg $0x60  }
0xb4: {  	[dreg:$0x2] =	wrdreg s16  }
0xb5: {  	[dreg:$0x3] =	wrdreg s24  }
0xb6: {  	[dreg:$0x4] =	wrdreg $0x9  }
0xb7: {  	_ =	task.clear_ibuf [dreg:s7], $0x5FFFF;
	_ =	strace $0x90000046  }
0xb8: {  	s29 =	simm.s32 $0x9;
	_ =	strace $0x80000048  }
0xb9: {  	_ =	swait.ge [sflag:s29], $0x1  }
0xba: {  	[sflag:s29] =	ssyncadd.s32 $0xFFFFFFFF  }
0xbb: {  	_ =	strace $0x90000048  }
0xbc: {  	_ =	sfence  }
0xbd: {  	s30 =	sld [smem:$0x0];
	_ =	sdelay $0x2  }
0xbe: {  	s31 =	sshll.u32 s1, $0xD;
	s1 =	sshrl.u32 s1, $0x2  }
0xbf: {  	s3 =	sand.u32 $0x4000, s31;
	s1 =	sadd.s32 s1, s30  }
0xc0: {  	s0 =	sor.u32 s3, s0;
	s1 =	sshll.u32 s1, $0x11  }
0xc1: {  	s0 =	sor.u32 s1, s0  }
0xc2: {  	s0 =	sadd.s32 $0x8F2B, s0  }
0xc3: {  	[sflag:s0] =	ssyncadd.remote.s32 $0x1  }
0xc4: {  	_ =	sfence.sel $0xFFFF  }
0xc5: {  	[dreg:$0x0] =	wrdreg $0xFFFFFFFF;
	(pc) =	sbr.abs _section_cstart, $3  }
0xc6: {  	[dreg:$0x1] =	wrdreg $0xFFFFFFFF  }
0xc7: {  	_ =	task.clear_ibuf [dreg:s7], $0x2FFFF;
	_ =	strace $0x9FFFFFFF  }
0xc8: {  	(tm) =	ssettm $0x7FFFFFFF  }
0xc9: {  	_ =	shalt  }
tec
execute0_lowered:
.L_overlay_start_1:
0x0: {  	(tag) =	ssettag $0x1  }
0x1: {  	s0 =	srdreg.scid;
	s5 =	rddreg [dreg:$0x0]  }
0x2: {  	s1 =	stileid.u32;
	s3 =	rddreg [dreg:$0x1];
	s9 =	simm.s32 $0x80  }
0x3: {  	s7 =	simm.s32 $0x800;
	s14 =	simm.s32 $0x2800;
	s15 =	simm.s32 $0x4800  }
0x4: {  	s16 =	simm.s32 $0x6800;
	s28 =	simm.s32 $0x200;
	s6 =	simm.s32 $0x8800  }
0x5: {  	s29 =	simm.s32 $0x280;
	s11 =	simm.s32 $0xA800;
	s30 =	simm.s32 $0x300  }
0x6: {  	s12 =	simm.s32 $0xC800;
	s31 =	simm.s32 $0x380;
	s13 =	simm.s32 $0xE800  }
0x7: {  	s10 =	simm.s32 $0x1;
	s21 =	simm.s32 $0x400;
	p0 =	por $0x0, $0x0  }
0x8: {  	s8 =	simm.s32 $0x2;
	s17 =	simm.s32 $0x600;
	s18 =	simm.s32 $0x680  }
0x9: {  	s19 =	simm.s32 $0x700;
	s20 =	simm.s32 $0x780;
	s0 =	sand.u32 $0x1, s0  }
0xa: {  	s1 =	sshll.u32 s1, $0xC;
	s2 =	sshll.u32 s0, $0xB;
	s0 =	ssub.s32 $0x2, s0  }
0xb: {  	s1 =	sor.u32 s2, s1;
	s2 =	simm.s32 $0x0;
	s24 =	sshrl.u32 s0, $0x1  }
0xc: {  	s4 =	sshrl.u32 s1, $0x3;
	[smem:$0x7FF] =	sst s2;
	s1 =	sshll.u32 s1, $0x3  }
0xd: {  	s0 =	ssub.s32 s0, s24;
	s24 =	simm.s32 $0x580;
	s4 =	sadd.s32 s4, s3  }
0xe: {  	_ =	strace $0x80000047;
	s1 =	sadd.s32 s1, s3;
	s0 =	smax.u32 s0, $0x1  }
0xf: {  	s3 =	simm.s32 $0x3;
	s22 =	sadd.s32 $0x600, s4;
	p1 =	sne.s32 s0, $0x1  }
.Ltmp0:
0x10: {  	s23 =	sadd.s32 $0x2600, s1;
	[dreg:$0x3] =	wrdreg s22;
	(pc) =	sbr.rel @!p1 .LBB2_3-.Ltmp0, $4  }
0x11: {  	s25 =	sadd.s32 $0x3600, s1;
	s26 =	sadd.s32 $0x4600, s1;
	[dreg:$0x4] =	wrdreg s23  }
0x12: {  	s4 =	sadd.s32 $0x5600, s1;
	s1 =	sadd.s32 $0xFFFFFFFF, s0;
	[dreg:$0x5] =	wrdreg s25  }
0x13: {  	[dreg:$0x6] =	wrdreg s26;
	s25 =	simm.s32 $0x100;
	s26 =	simm.s32 $0x180  }
0x14: {  	s22 =	simm.s32 $0x480;
	s23 =	simm.s32 $0x500;
	s0 =	rddreg [dreg:$0x3]  }
0x15: {  	[tilespmem:s2], [sflag:$0x3] =	stream.linear.gather [hbm4b:s0+s2], $0x800, $0x38;
	[tilespmem:$0x10800] =	vst v63  }
0x16: {  	_ =	swait.ge [sflag:s3], $0x800  }
0x17: {  	[sflag:s3] =	ssyncset.done $0x0  }
0x18: {  	[sflag:s3] =	ssyncadd.s32 $0xFFFFF800  }
0x19: {  	[tilespmem:s7], [sflag:$0x1] =	stream.indirect.gather [hbm4b:s5+s9], $0x40, s2, s9, $0xb8;
	[tilespmem:$0x10800] =	vst v63  }
0x1a: {  	_ = 	snop  }
0x1b: {  	[tilespmem:s14], [sflag:$0x1] =	stream.indirect.gather [hbm4b:s5+s9], $0x40, s9, s9, $0xb8;
	[tilespmem:$0x10800] =	vst v63  }
0x1c: {  	_ = 	snop  }
0x1d: {  	[tilespmem:s15], [sflag:$0x1] =	stream.indirect.gather [hbm4b:s5+s9], $0x40, s25, s9, $0xb8;
	[tilespmem:$0x10800] =	vst v63  }
0x1e: {  	_ = 	snop  }
0x1f: {  	[tilespmem:s16], [sflag:$0x1] =	stream.indirect.gather [hbm4b:s5+s9], $0x40, s26, s9, $0xb8;
	[tilespmem:$0x10800] =	vst v63  }
0x20: {  	_ = 	snop  }
0x21: {  	[tilespmem:s6], [sflag:$0x2] =	stream.indirect.gather [hbm4b:s5+s9], $0x40, s28, s9, $0xb8;
	[tilespmem:$0x10800] =	vst v63  }
0x22: {  	_ = 	snop  }
0x23: {  	[tilespmem:s11], [sflag:$0x2] =	stream.indirect.gather [hbm4b:s5+s9], $0x40, s29, s9, $0xb8;
	[tilespmem:$0x10800] =	vst v63  }
0x24: {  	_ = 	snop  }
0x25: {  	[tilespmem:s12], [sflag:$0x2] =	stream.indirect.gather [hbm4b:s5+s9], $0x40, s30, s9, $0xb8;
	[tilespmem:$0x10800] =	vst v63  }
0x26: {  	_ = 	snop  }
0x27: {  	[tilespmem:s13], [sflag:$0x2] =	stream.indirect.gather [hbm4b:s5+s9], $0x40, s31, s9, $0xb8;
	[tilespmem:$0x10800] =	vst v63  }
0x28: {  	_ =	swait.ge [sflag:s10], $0x2000  }
0x29: {  	[sflag:s10] =	ssyncset.done $0x0  }
0x2a: {  	[sflag:s10] =	ssyncadd.s32 $0xFFFFE000  }
0x2b: {  	_ =	swait.ge [sflag:s10], $0x2000  }
0x2c: {  	[sflag:s10] =	ssyncset.done $0x0  }
0x2d: {  	[sflag:s10] =	ssyncadd.s32 $0xFFFFE000  }
0x2e: {  	_ =	swait.ge [sflag:s10], $0x2000  }
0x2f: {  	[sflag:s10] =	ssyncset.done $0x0  }
0x30: {  	[sflag:s10] =	ssyncadd.s32 $0xFFFFE000  }
0x31: {  	_ =	swait.ge [sflag:s10], $0x2000  }
0x32: {  	[sflag:s10] =	ssyncset.done $0x0  }
0x33: {  	s0 =	rddreg [dreg:$0x4];
	[sflag:s10] =	ssyncadd.s32 $0xFFFFE000  }
0x34: {  	[hbm4b:s0+s2] =	stream.linear.scatter [tilespmem:s7], [sflag:$0x3], $0x8000, $0x38;
	[tilespmem:$0x10800] =	vst v63  }
0x35: {  	_ =	swait.ge [sflag:s3], $0x8000  }
0x36: {  	[sflag:s3] =	ssyncset.done $0x0  }
0x37: {  	[sflag:s3] =	ssyncadd.s32 $0xFFFF8000  }
0x38: {  	[tilespmem:s7], [sflag:$0x1] =	stream.indirect.gather [hbm4b:s5+s9], $0x40, s21, s9, $0xb8;
	[tilespmem:$0x10800] =	vst v63  }
0x39: {  	_ = 	snop  }
0x3a: {  	[tilespmem:s14], [sflag:$0x1] =	stream.indirect.gather [hbm4b:s5+s9], $0x40, s22, s9, $0xb8;
	[tilespmem:$0x10800] =	vst v63  }
0x3b: {  	_ = 	snop  }
0x3c: {  	[tilespmem:s15], [sflag:$0x1] =	stream.indirect.gather [hbm4b:s5+s9], $0x40, s23, s9, $0xb8;
	[tilespmem:$0x10800] =	vst v63  }
0x3d: {  	_ = 	snop  }
0x3e: {  	[tilespmem:s16], [sflag:$0x1] =	stream.indirect.gather [hbm4b:s5+s9], $0x40, s24, s9, $0xb8;
	[tilespmem:$0x10800] =	vst v63  }
0x3f: {  	_ =	swait.ge [sflag:s8], $0x2000  }
0x40: {  	[sflag:s8] =	ssyncset.done $0x0  }
0x41: {  	[sflag:s8] =	ssyncadd.s32 $0xFFFFE000  }
0x42: {  	_ =	swait.ge [sflag:s8], $0x2000  }
0x43: {  	[sflag:s8] =	ssyncset.done $0x0  }
0x44: {  	[sflag:s8] =	ssyncadd.s32 $0xFFFFE000  }
0x45: {  	_ =	swait.ge [sflag:s8], $0x2000  }
0x46: {  	[sflag:s8] =	ssyncset.done $0x0  }
0x47: {  	[sflag:s8] =	ssyncadd.s32 $0xFFFFE000  }
0x48: {  	_ =	swait.ge [sflag:s8], $0x2000  }
0x49: {  	[sflag:s8] =	ssyncset.done $0x0  }
0x4a: {  	s0 =	rddreg [dreg:$0x5];
	[sflag:s8] =	ssyncadd.s32 $0xFFFFE000  }
0x4b: {  	[hbm4b:s0+s2] =	stream.linear.scatter [tilespmem:s6], [sflag:$0x3], $0x8000, $0x38;
	[tilespmem:$0x10800] =	vst v63  }
0x4c: {  	_ =	swait.ge [sflag:s3], $0x8000  }
0x4d: {  	[sflag:s3] =	ssyncset.done $0x0  }
0x4e: {  	[sflag:s3] =	ssyncadd.s32 $0xFFFF8000  }
0x4f: {  	[tilespmem:s6], [sflag:$0x2] =	stream.indirect.gather [hbm4b:s5+s9], $0x40, s17, s9, $0xb8;
	[tilespmem:$0x10800] =	vst v63  }
0x50: {  	_ = 	snop  }
0x51: {  	[tilespmem:s11], [sflag:$0x2] =	stream.indirect.gather [hbm4b:s5+s9], $0x40, s18, s9, $0xb8;
	[tilespmem:$0x10800] =	vst v63  }
0x52: {  	_ = 	snop  }
0x53: {  	[tilespmem:s12], [sflag:$0x2] =	stream.indirect.gather [hbm4b:s5+s9], $0x40, s19, s9, $0xb8;
	[tilespmem:$0x10800] =	vst v63  }
0x54: {  	_ = 	snop  }
0x55: {  	[tilespmem:s13], [sflag:$0x2] =	stream.indirect.gather [hbm4b:s5+s9], $0x40, s20, s9, $0xb8;
	[tilespmem:$0x10800] =	vst v63  }
0x56: {  	_ =	swait.ge [sflag:s10], $0x2000  }
0x57: {  	[sflag:s10] =	ssyncset.done $0x0  }
0x58: {  	[sflag:s10] =	ssyncadd.s32 $0xFFFFE000  }
0x59: {  	_ =	swait.ge [sflag:s10], $0x2000  }
0x5a: {  	[sflag:s10] =	ssyncset.done $0x0  }
0x5b: {  	[sflag:s10] =	ssyncadd.s32 $0xFFFFE000  }
0x5c: {  	_ =	swait.ge [sflag:s10], $0x2000  }
0x5d: {  	[sflag:s10] =	ssyncset.done $0x0  }
0x5e: {  	[sflag:s10] =	ssyncadd.s32 $0xFFFFE000  }
0x5f: {  	_ =	swait.ge [sflag:s10], $0x2000  }
0x60: {  	[sflag:s10] =	ssyncset.done $0x0  }
0x61: {  	s0 =	rddreg [dreg:$0x6];
	[sflag:s10] =	ssyncadd.s32 $0xFFFFE000  }
0x62: {  	[hbm4b:s0+s2] =	stream.linear.scatter [tilespmem:s7], [sflag:$0x3], $0x8000, $0x38;
	[tilespmem:$0x10800] =	vst v63  }
0x63: {  	_ =	swait.ge [sflag:s3], $0x8000  }
0x64: {  	[sflag:s3] =	ssyncset.done $0x0  }
0x65: {  	[sflag:s3] =	ssyncadd.s32 $0xFFFF8000  }
0x66: {  	_ =	swait.ge [sflag:s8], $0x2000  }
0x67: {  	[sflag:s8] =	ssyncset.done $0x0  }
0x68: {  	[sflag:s8] =	ssyncadd.s32 $0xFFFFE000  }
0x69: {  	_ =	swait.ge [sflag:s8], $0x2000  }
0x6a: {  	[sflag:s8] =	ssyncset.done $0x0  }
0x6b: {  	[sflag:s8] =	ssyncadd.s32 $0xFFFFE000  }
0x6c: {  	_ =	swait.ge [sflag:s8], $0x2000  }
0x6d: {  	[sflag:s8] =	ssyncset.done $0x0  }
0x6e: {  	[sflag:s8] =	ssyncadd.s32 $0xFFFFE000  }
0x6f: {  	p1 =	sne.s32 s1, $0x1;
	_ =	swait.ge [sflag:s8], $0x2000  }
.Ltmp1:
0x70: {  	[sflag:s8] =	ssyncset.done $0x0;
	(pc) =	sbr.rel @!p1 .LBB2_3-.Ltmp1, $4  }
0x71: {  	[sflag:s8] =	ssyncadd.s32 $0xFFFFE000  }
0x72: {  	[hbm4b:s4+s2] =	stream.linear.scatter [tilespmem:s6], [sflag:$0x3], $0x8000, $0x38;
	[tilespmem:$0x10800] =	vst v63  }
0x73: {  	s1 =	sadd.s32 $0xFFFFFFFF, s1;
	_ =	swait.ge [sflag:s3], $0x8000  }
0x74: {  	p0 =	por $0x1, $0x1;
	s0 =	rddreg [dreg:$0x3];
	[sflag:s3] =	ssyncset.done $0x0  }
.LBB2_2:
0x75: {  	[sflag:s3] =	ssyncadd.s32 $0xFFFF8000  }
0x76: {  	[tilespmem:s2], [sflag:$0x3] =	stream.linear.gather [hbm4b:s0+s2], $0x800, $0x38;
	[tilespmem:$0x10800] =	vst v63  }
0x77: {  	_ =	swait.ge [sflag:s3], $0x800  }
0x78: {  	[sflag:s3] =	ssyncset.done $0x0  }
0x79: {  	[sflag:s3] =	ssyncadd.s32 $0xFFFFF800  }
0x7a: {  	[tilespmem:s7], [sflag:$0x1] =	stream.indirect.gather [hbm4b:s5+s9], $0x40, s2, s9, $0xb8;
	[tilespmem:$0x10800] =	vst v63  }
0x7b: {  	_ = 	snop  }
0x7c: {  	[tilespmem:s14], [sflag:$0x1] =	stream.indirect.gather [hbm4b:s5+s9], $0x40, s9, s9, $0xb8;
	[tilespmem:$0x10800] =	vst v63  }
0x7d: {  	_ = 	snop  }
0x7e: {  	[tilespmem:s15], [sflag:$0x1] =	stream.indirect.gather [hbm4b:s5+s9], $0x40, s25, s9, $0xb8;
	[tilespmem:$0x10800] =	vst v63  }
0x7f: {  	_ = 	snop  }
0x80: {  	[tilespmem:s16], [sflag:$0x1] =	stream.indirect.gather [hbm4b:s5+s9], $0x40, s26, s9, $0xb8;
	[tilespmem:$0x10800] =	vst v63  }
0x81: {  	_ = 	snop  }
0x82: {  	[tilespmem:s6], [sflag:$0x2] =	stream.indirect.gather [hbm4b:s5+s9], $0x40, s28, s9, $0xb8;
	[tilespmem:$0x10800] =	vst v63  }
0x83: {  	_ = 	snop  }
0x84: {  	[tilespmem:s11], [sflag:$0x2] =	stream.indirect.gather [hbm4b:s5+s9], $0x40, s29, s9, $0xb8;
	[tilespmem:$0x10800] =	vst v63  }
0x85: {  	_ = 	snop  }
0x86: {  	[tilespmem:s12], [sflag:$0x2] =	stream.indirect.gather [hbm4b:s5+s9], $0x40, s30, s9, $0xb8;
	[tilespmem:$0x10800] =	vst v63  }
0x87: {  	_ = 	snop  }
0x88: {  	[tilespmem:s13], [sflag:$0x2] =	stream.indirect.gather [hbm4b:s5+s9], $0x40, s31, s9, $0xb8;
	[tilespmem:$0x10800] =	vst v63  }
0x89: {  	_ =	swait.ge [sflag:s10], $0x2000  }
0x8a: {  	[sflag:s10] =	ssyncset.done $0x0  }
0x8b: {  	[sflag:s10] =	ssyncadd.s32 $0xFFFFE000  }
0x8c: {  	_ =	swait.ge [sflag:s10], $0x2000  }
0x8d: {  	[sflag:s10] =	ssyncset.done $0x0  }
0x8e: {  	[sflag:s10] =	ssyncadd.s32 $0xFFFFE000  }
0x8f: {  	_ =	swait.ge [sflag:s10], $0x2000  }
0x90: {  	[sflag:s10] =	ssyncset.done $0x0  }
0x91: {  	[sflag:s10] =	ssyncadd.s32 $0xFFFFE000  }
0x92: {  	_ =	swait.ge [sflag:s10], $0x2000  }
0x93: {  	[sflag:s10] =	ssyncset.done $0x0  }
0x94: {  	s0 =	rddreg [dreg:$0x4];
	[sflag:s10] =	ssyncadd.s32 $0xFFFFE000  }
0x95: {  	[hbm4b:s0+s2] =	stream.linear.scatter [tilespmem:s7], [sflag:$0x3], $0x8000, $0x38;
	[tilespmem:$0x10800] =	vst v63  }
0x96: {  	_ =	swait.ge [sflag:s3], $0x8000  }
0x97: {  	[sflag:s3] =	ssyncset.done $0x0  }
0x98: {  	[sflag:s3] =	ssyncadd.s32 $0xFFFF8000  }
0x99: {  	[tilespmem:s7], [sflag:$0x1] =	stream.indirect.gather [hbm4b:s5+s9], $0x40, s21, s9, $0xb8;
	[tilespmem:$0x10800] =	vst v63  }
0x9a: {  	_ = 	snop  }
0x9b: {  	[tilespmem:s14], [sflag:$0x1] =	stream.indirect.gather [hbm4b:s5+s9], $0x40, s22, s9, $0xb8;
	[tilespmem:$0x10800] =	vst v63  }
0x9c: {  	_ = 	snop  }
0x9d: {  	[tilespmem:s15], [sflag:$0x1] =	stream.indirect.gather [hbm4b:s5+s9], $0x40, s23, s9, $0xb8;
	[tilespmem:$0x10800] =	vst v63  }
0x9e: {  	_ = 	snop  }
0x9f: {  	[tilespmem:s16], [sflag:$0x1] =	stream.indirect.gather [hbm4b:s5+s9], $0x40, s24, s9, $0xb8;
	[tilespmem:$0x10800] =	vst v63  }
0xa0: {  	_ =	swait.ge [sflag:s8], $0x2000  }
0xa1: {  	[sflag:s8] =	ssyncset.done $0x0  }
0xa2: {  	[sflag:s8] =	ssyncadd.s32 $0xFFFFE000  }
0xa3: {  	_ =	swait.ge [sflag:s8], $0x2000  }
0xa4: {  	[sflag:s8] =	ssyncset.done $0x0  }
0xa5: {  	[sflag:s8] =	ssyncadd.s32 $0xFFFFE000  }
0xa6: {  	_ =	swait.ge [sflag:s8], $0x2000  }
0xa7: {  	[sflag:s8] =	ssyncset.done $0x0  }
0xa8: {  	[sflag:s8] =	ssyncadd.s32 $0xFFFFE000  }
0xa9: {  	_ =	swait.ge [sflag:s8], $0x2000  }
0xaa: {  	[sflag:s8] =	ssyncset.done $0x0  }
0xab: {  	s0 =	rddreg [dreg:$0x5];
	[sflag:s8] =	ssyncadd.s32 $0xFFFFE000  }
0xac: {  	[hbm4b:s0+s2] =	stream.linear.scatter [tilespmem:s6], [sflag:$0x3], $0x8000, $0x38;
	[tilespmem:$0x10800] =	vst v63  }
0xad: {  	_ =	swait.ge [sflag:s3], $0x8000  }
0xae: {  	[sflag:s3] =	ssyncset.done $0x0  }
0xaf: {  	[sflag:s3] =	ssyncadd.s32 $0xFFFF8000  }
0xb0: {  	[tilespmem:s6], [sflag:$0x2] =	stream.indirect.gather [hbm4b:s5+s9], $0x40, s17, s9, $0xb8;
	[tilespmem:$0x10800] =	vst v63  }
0xb1: {  	_ = 	snop  }
0xb2: {  	[tilespmem:s11], [sflag:$0x2] =	stream.indirect.gather [hbm4b:s5+s9], $0x40, s18, s9, $0xb8;
	[tilespmem:$0x10800] =	vst v63  }
0xb3: {  	_ = 	snop  }
0xb4: {  	[tilespmem:s12], [sflag:$0x2] =	stream.indirect.gather [hbm4b:s5+s9], $0x40, s19, s9, $0xb8;
	[tilespmem:$0x10800] =	vst v63  }
0xb5: {  	_ = 	snop  }
0xb6: {  	[tilespmem:s13], [sflag:$0x2] =	stream.indirect.gather [hbm4b:s5+s9], $0x40, s20, s9, $0xb8;
	[tilespmem:$0x10800] =	vst v63  }
0xb7: {  	_ =	swait.ge [sflag:s10], $0x2000  }
0xb8: {  	[sflag:s10] =	ssyncset.done $0x0  }
0xb9: {  	[sflag:s10] =	ssyncadd.s32 $0xFFFFE000  }
0xba: {  	_ =	swait.ge [sflag:s10], $0x2000  }
0xbb: {  	[sflag:s10] =	ssyncset.done $0x0  }
0xbc: {  	[sflag:s10] =	ssyncadd.s32 $0xFFFFE000  }
0xbd: {  	_ =	swait.ge [sflag:s10], $0x2000  }
0xbe: {  	[sflag:s10] =	ssyncset.done $0x0  }
0xbf: {  	[sflag:s10] =	ssyncadd.s32 $0xFFFFE000  }
0xc0: {  	_ =	swait.ge [sflag:s10], $0x2000  }
0xc1: {  	[sflag:s10] =	ssyncset.done $0x0  }
0xc2: {  	s0 =	rddreg [dreg:$0x6];
	[sflag:s10] =	ssyncadd.s32 $0xFFFFE000  }
0xc3: {  	[hbm4b:s0+s2] =	stream.linear.scatter [tilespmem:s7], [sflag:$0x3], $0x8000, $0x38;
	[tilespmem:$0x10800] =	vst v63  }
0xc4: {  	_ =	swait.ge [sflag:s3], $0x8000  }
0xc5: {  	[sflag:s3] =	ssyncset.done $0x0  }
0xc6: {  	[sflag:s3] =	ssyncadd.s32 $0xFFFF8000  }
0xc7: {  	_ =	swait.ge [sflag:s8], $0x2000  }
0xc8: {  	[sflag:s8] =	ssyncset.done $0x0  }
0xc9: {  	[sflag:s8] =	ssyncadd.s32 $0xFFFFE000  }
0xca: {  	_ =	swait.ge [sflag:s8], $0x2000  }
0xcb: {  	[sflag:s8] =	ssyncset.done $0x0  }
0xcc: {  	[sflag:s8] =	ssyncadd.s32 $0xFFFFE000  }
0xcd: {  	_ =	swait.ge [sflag:s8], $0x2000  }
0xce: {  	[sflag:s8] =	ssyncset.done $0x0  }
0xcf: {  	[sflag:s8] =	ssyncadd.s32 $0xFFFFE000  }
0xd0: {  	p1 =	sne.s32 s1, $0x1;
	_ =	swait.ge [sflag:s8], $0x2000  }
.Ltmp2:
0xd1: {  	[sflag:s8] =	ssyncset.done $0x0;
	(pc) =	sbr.rel @p1 .LBB2_2-.Ltmp2, $4  }
0xd2: {  	[sflag:s8] =	ssyncadd.s32 $0xFFFFE000  }
0xd3: {  	[hbm4b:s4+s2] =	stream.linear.scatter [tilespmem:s6], [sflag:$0x3], $0x8000, $0x38;
	[tilespmem:$0x10800] =	vst v63  }
0xd4: {  	_ =	swait.ge [sflag:s3], $0x8000  }
0xd5: {  	s1 =	sadd.s32 $0xFFFFFFFF, s1;
	s0 =	rddreg [dreg:$0x3];
	[sflag:s3] =	ssyncset.done $0x0  }
.LBB2_3:
0xd6: {  	[sflag:s3] =	ssyncadd.s32 @p0 $0xFFFF8000  }
0xd7: {  	[tilespmem:s2], [sflag:$0x3] =	stream.linear.gather [hbm4b:s0+s2], $0x800, $0x38;
	[tilespmem:$0x10800] =	vst v63  }
0xd8: {  	_ =	swait.ge [sflag:s3], $0x800  }
0xd9: {  	[sflag:s3] =	ssyncset.done $0x0  }
0xda: {  	[sflag:s3] =	ssyncadd.s32 $0xFFFFF800  }
0xdb: {  	[tilespmem:s7], [sflag:$0x1] =	stream.indirect.gather [hbm4b:s5+s9], $0x40, s2, s9, $0xb8;
	[tilespmem:$0x10800] =	vst v63  }
0xdc: {  	_ = 	snop  }
0xdd: {  	[tilespmem:s14], [sflag:$0x1] =	stream.indirect.gather [hbm4b:s5+s9], $0x40, s9, s9, $0xb8;
	[tilespmem:$0x10800] =	vst v63  }
0xde: {  	_ = 	snop  }
0xdf: {  	[tilespmem:s15], [sflag:$0x1] =	stream.indirect.gather [hbm4b:s5+s9], $0x40, s25, s9, $0xb8;
	[tilespmem:$0x10800] =	vst v63  }
0xe0: {  	_ = 	snop  }
0xe1: {  	[tilespmem:s16], [sflag:$0x1] =	stream.indirect.gather [hbm4b:s5+s9], $0x40, s26, s9, $0xb8;
	[tilespmem:$0x10800] =	vst v63  }
0xe2: {  	_ = 	snop  }
0xe3: {  	[tilespmem:s6], [sflag:$0x2] =	stream.indirect.gather [hbm4b:s5+s9], $0x40, s28, s9, $0xb8;
	[tilespmem:$0x10800] =	vst v63  }
0xe4: {  	_ = 	snop  }
0xe5: {  	[tilespmem:s11], [sflag:$0x2] =	stream.indirect.gather [hbm4b:s5+s9], $0x40, s29, s9, $0xb8;
	[tilespmem:$0x10800] =	vst v63  }
0xe6: {  	_ = 	snop  }
0xe7: {  	[tilespmem:s12], [sflag:$0x2] =	stream.indirect.gather [hbm4b:s5+s9], $0x40, s30, s9, $0xb8;
	[tilespmem:$0x10800] =	vst v63  }
0xe8: {  	_ = 	snop  }
0xe9: {  	[tilespmem:s13], [sflag:$0x2] =	stream.indirect.gather [hbm4b:s5+s9], $0x40, s31, s9, $0xb8;
	[tilespmem:$0x10800] =	vst v63  }
0xea: {  	_ =	swait.ge [sflag:s10], $0x2000  }
0xeb: {  	[sflag:s10] =	ssyncset.done $0x0  }
0xec: {  	[sflag:s10] =	ssyncadd.s32 $0xFFFFE000  }
0xed: {  	_ =	swait.ge [sflag:s10], $0x2000  }
0xee: {  	[sflag:s10] =	ssyncset.done $0x0  }
0xef: {  	[sflag:s10] =	ssyncadd.s32 $0xFFFFE000  }
0xf0: {  	_ =	swait.ge [sflag:s10], $0x2000  }
0xf1: {  	[sflag:s10] =	ssyncset.done $0x0  }
0xf2: {  	[sflag:s10] =	ssyncadd.s32 $0xFFFFE000  }
0xf3: {  	_ =	swait.ge [sflag:s10], $0x2000  }
0xf4: {  	[sflag:s10] =	ssyncset.done $0x0  }
0xf5: {  	s28 =	rddreg [dreg:$0x4];
	[sflag:s10] =	ssyncadd.s32 $0xFFFFE000  }
0xf6: {  	[hbm4b:s28+s2] =	stream.linear.scatter [tilespmem:s7], [sflag:$0x3], $0x8000, $0x38;
	[tilespmem:$0x10800] =	vst v63  }
0xf7: {  	_ =	swait.ge [sflag:s3], $0x8000  }
0xf8: {  	[sflag:s3] =	ssyncset.done $0x0  }
0xf9: {  	[sflag:s3] =	ssyncadd.s32 $0xFFFF8000  }
0xfa: {  	[tilespmem:s7], [sflag:$0x1] =	stream.indirect.gather [hbm4b:s5+s9], $0x40, s21, s9, $0xb8;
	[tilespmem:$0x10800] =	vst v63  }
0xfb: {  	_ = 	snop  }
0xfc: {  	[tilespmem:s14], [sflag:$0x1] =	stream.indirect.gather [hbm4b:s5+s9], $0x40, s22, s9, $0xb8;
	[tilespmem:$0x10800] =	vst v63  }
0xfd: {  	_ = 	snop  }
0xfe: {  	[tilespmem:s15], [sflag:$0x1] =	stream.indirect.gather [hbm4b:s5+s9], $0x40, s23, s9, $0xb8;
	[tilespmem:$0x10800] =	vst v63  }
0xff: {  	_ = 	snop  }
0x100: {  	[tilespmem:s16], [sflag:$0x1] =	stream.indirect.gather [hbm4b:s5+s9], $0x40, s24, s9, $0xb8;
	[tilespmem:$0x10800] =	vst v63  }
0x101: {  	_ =	swait.ge [sflag:s8], $0x2000  }
0x102: {  	[sflag:s8] =	ssyncset.done $0x0  }
0x103: {  	[sflag:s8] =	ssyncadd.s32 $0xFFFFE000  }
0x104: {  	_ =	swait.ge [sflag:s8], $0x2000  }
0x105: {  	[sflag:s8] =	ssyncset.done $0x0  }
0x106: {  	[sflag:s8] =	ssyncadd.s32 $0xFFFFE000  }
0x107: {  	_ =	swait.ge [sflag:s8], $0x2000  }
0x108: {  	[sflag:s8] =	ssyncset.done $0x0  }
0x109: {  	[sflag:s8] =	ssyncadd.s32 $0xFFFFE000  }
0x10a: {  	_ =	swait.ge [sflag:s8], $0x2000  }
0x10b: {  	[sflag:s8] =	ssyncset.done $0x0  }
0x10c: {  	s29 =	rddreg [dreg:$0x5];
	[sflag:s8] =	ssyncadd.s32 $0xFFFFE000  }
0x10d: {  	[hbm4b:s29+s2] =	stream.linear.scatter [tilespmem:s6], [sflag:$0x3], $0x8000, $0x38;
	[tilespmem:$0x10800] =	vst v63  }
0x10e: {  	_ =	swait.ge [sflag:s3], $0x8000  }
0x10f: {  	[sflag:s3] =	ssyncset.done $0x0  }
0x110: {  	[sflag:s3] =	ssyncadd.s32 $0xFFFF8000  }
0x111: {  	[tilespmem:s6], [sflag:$0x2] =	stream.indirect.gather [hbm4b:s5+s9], $0x40, s17, s9, $0xb8;
	[tilespmem:$0x10800] =	vst v63  }
0x112: {  	_ = 	snop  }
0x113: {  	[tilespmem:s11], [sflag:$0x2] =	stream.indirect.gather [hbm4b:s5+s9], $0x40, s18, s9, $0xb8;
	[tilespmem:$0x10800] =	vst v63  }
0x114: {  	_ = 	snop  }
0x115: {  	[tilespmem:s12], [sflag:$0x2] =	stream.indirect.gather [hbm4b:s5+s9], $0x40, s19, s9, $0xb8;
	[tilespmem:$0x10800] =	vst v63  }
0x116: {  	_ = 	snop  }
0x117: {  	[tilespmem:s13], [sflag:$0x2] =	stream.indirect.gather [hbm4b:s5+s9], $0x40, s20, s9, $0xb8;
	[tilespmem:$0x10800] =	vst v63  }
0x118: {  	_ =	swait.ge [sflag:s10], $0x2000  }
0x119: {  	[sflag:s10] =	ssyncset.done $0x0  }
0x11a: {  	[sflag:s10] =	ssyncadd.s32 $0xFFFFE000  }
0x11b: {  	_ =	swait.ge [sflag:s10], $0x2000  }
0x11c: {  	[sflag:s10] =	ssyncset.done $0x0  }
0x11d: {  	[sflag:s10] =	ssyncadd.s32 $0xFFFFE000  }
0x11e: {  	_ =	swait.ge [sflag:s10], $0x2000  }
0x11f: {  	[sflag:s10] =	ssyncset.done $0x0  }
0x120: {  	[sflag:s10] =	ssyncadd.s32 $0xFFFFE000  }
0x121: {  	_ =	swait.ge [sflag:s10], $0x2000  }
0x122: {  	[sflag:s10] =	ssyncset.done $0x0  }
0x123: {  	s30 =	rddreg [dreg:$0x6];
	[sflag:s10] =	ssyncadd.s32 $0xFFFFE000  }
0x124: {  	[hbm4b:s30+s2] =	stream.linear.scatter [tilespmem:s7], [sflag:$0x3], $0x8000, $0x38;
	[tilespmem:$0x10800] =	vst v63  }
0x125: {  	_ =	swait.ge [sflag:s3], $0x8000  }
0x126: {  	[sflag:s3] =	ssyncset.done $0x0  }
0x127: {  	[sflag:s3] =	ssyncadd.s32 $0xFFFF8000  }
0x128: {  	_ =	swait.ge [sflag:s8], $0x2000  }
0x129: {  	[sflag:s8] =	ssyncset.done $0x0  }
0x12a: {  	[sflag:s8] =	ssyncadd.s32 $0xFFFFE000  }
0x12b: {  	_ =	swait.ge [sflag:s8], $0x2000  }
0x12c: {  	[sflag:s8] =	ssyncset.done $0x0  }
0x12d: {  	[sflag:s8] =	ssyncadd.s32 $0xFFFFE000  }
0x12e: {  	_ =	swait.ge [sflag:s8], $0x2000  }
0x12f: {  	[sflag:s8] =	ssyncset.done $0x0  }
0x130: {  	[sflag:s8] =	ssyncadd.s32 $0xFFFFE000  }
0x131: {  	_ =	swait.ge [sflag:s8], $0x2000  }
0x132: {  	[sflag:s8] =	ssyncset.done $0x0  }
0x133: {  	[sflag:s8] =	ssyncadd.s32 $0xFFFFE000  }
0x134: {  	[hbm4b:s4+s2] =	stream.linear.scatter [tilespmem:s6], [sflag:$0x3], $0x8000, $0x38;
	[tilespmem:$0x10800] =	vst v63  }
0x135: {  	_ =	swait.ge [sflag:s3], $0x8000  }
0x136: {  	[sflag:s3] =	ssyncset.done $0x0  }
0x137: {  	[sflag:s3] =	ssyncadd.s32 $0xFFFF8000  }
0x138: {  	_ =	sfence.sel $0x180000  }
0x139: {  	[bflag:$0x0] =	sbarrier.arrive $0xFFFF  }
0x13a: {  	_ =	strace $0x90000047  }
0x13b: {  	s31 =	stileid.u32;
	[bflag:$0x2] =	sbarrier.arrive $0xFFFF  }
0x13c: {  	p0 =	sne.s32 s31, $0x0;
	s0 =	rddreg [dreg:$0x2]  }
0x13d: {  	s0 =	sadd.s32 @!p0 $0x100000, s0  }
0x13e: {  	[sflag:s0] =	ssyncadd.tile.s32 @!p0 $0x1;
	_ =	shalt  }
.Lfunc_end2:
_tile_overlayer_lowered:
.L_overlay_start_2:
0x13f: {  	(tag) =	ssettag $0x2  }
0x140: {  	s0 =	rddreg [dreg:$0x0];
	s2 =	stileid.u32  }
0x141: {  	s1 =	rddreg [dreg:$0x1];
	p0 =	sne.s32 s2, $0x0  }
0x142: {  	s3 =	rddreg [dreg:$0x2];
	[bflag:$0x3] =	sbarrier.arrive $0xFFFF;
	s2 =	simm.s32 @!p0 $0x1C03  }
0x143: {  	[timem:s3], [sflag:s2] =	dma.local @!p0 [hbm:s0], s1  }
0x144: {  	s0 =	simm.s32 @!p0 $0x3  }
0x145: {  	_ =	swait.ge @!p0 [sflag:s0], s1  }
0x146: {  	s1 =	ssub.s32 @!p0 $0x0, s1;
	[sflag:s0] =	ssyncset.done @!p0 $0x0  }
0x147: {  	[sflag:s0] =	ssyncadd.s32 @!p0 s1  }
0x148: {  	[bflag:$0x3] =	sbarrier.arrive $0xFFFF  }
0x149: {  	_ =	shalt  }

</sc_bundles>
